<compile_context>
chip_gen: v7x
topology: tpu7x:2x2x1
jax: 0.10.2.dev20260603
libtpu: 0.0.44.dev20260713+nightly
codegen_flags: <defaults>
</compile_context>

<pallas_src>
import functools

import jax
import jax.numpy as jnp
from jax.experimental import pallas as pl
from jax.experimental.pallas import tpu as pltpu
from jax.experimental.pallas import tpu_sc as plsc

N = 50000
E = 800000
D = 64
B = 64

NBLK = 10
BLK = N // NBLK
PNBLK = 5
PBLK = N // PNBLK

NTILES = 32
CHUNK = 128
CPT = 196
E_PAD = NTILES * CPT * CHUNK
AGG_PAD = 50176
ZSLICE = AGG_PAD // 16
PRE = 8



def _dot3(a, b, dims):
    ah = a.astype(jnp.bfloat16)
    al = (a - ah.astype(jnp.float32)).astype(jnp.bfloat16)
    bh = b.astype(jnp.bfloat16)
    bl = (b - bh.astype(jnp.float32)).astype(jnp.bfloat16)
    def d(u, v):
        return jax.lax.dot_general(u, v, dims,
                                   preferred_element_type=jnp.float32)
    return d(ah, bh) + (d(ah, bl) + d(al, bh))


def _score_proj_body(x_ref, w2_ref, rel_ref, root_ref):
    s = _dot3(w2_ref[...], x_ref[...], (((1,), (1,)), ((), ())))
    rel_ref[...] = s[0:1, :].reshape(1, 1, PBLK)
    root_ref[...] = s[1:2, :].reshape(1, 1, PBLK)


def _score_proj(x, w2):
    return pl.pallas_call(
        _score_proj_body,
        grid=(PNBLK,),
        in_specs=[
            pl.BlockSpec((PBLK, D), lambda i: (i, 0)),
            pl.BlockSpec((2, D), lambda i: (0, 0)),
        ],
        out_specs=[
            pl.BlockSpec((1, 1, PBLK), lambda i: (i, 0, 0)),
            pl.BlockSpec((1, 1, PBLK), lambda i: (i, 0, 0)),
        ],
        out_shape=[
            jax.ShapeDtypeStruct((PNBLK, 1, PBLK), jnp.float32),
            jax.ShapeDtypeStruct((PNBLK, 1, PBLK), jnp.float32),
        ],
    )(x, w2)


def _sc_edge_agg_body(srel_hbm, edges_hbm, out_hbm,
                      srel_sp, agg_sp, src_v, dst_v, vals_v, zero_v,
                      semg, sems):
    c = jax.lax.axis_index("c")
    s = jax.lax.axis_index("s")
    wid = c * 16 + s

    def _z(i, carry):
        zero_v[pl.ds(i * 16, 16)] = jnp.zeros((16,), jnp.float32)
        return carry
    jax.lax.fori_loop(0, ZSLICE // 16, _z, 0)
    pltpu.sync_copy(zero_v, agg_sp.at[pl.ds(s * ZSLICE, ZSLICE)])

    @pl.when(s == 0)
    def _load_table():
        pltpu.sync_copy(srel_hbm, srel_sp)

    plsc.subcore_barrier()

    pltpu.sync_copy(edges_hbm.at[0, wid], src_v)
    pltpu.sync_copy(edges_hbm.at[1, wid], dst_v)

    def _fire_gather(j):
        pltpu.async_copy(srel_sp.at[src_v.at[j]], vals_v.at[j], semg)

    for j in range(PRE):
        _fire_gather(j)

    def _edge(j, carry):
        pltpu.make_async_copy(srel_sp.at[src_v.at[j]], vals_v.at[j],
                              semg).wait()
        pltpu.async_copy(vals_v.at[j], agg_sp.at[dst_v.at[j]], sems,
                         add=True)
        @pl.when(j + PRE < CPT)
        def _ahead():
            _fire_gather(j + PRE)
        return carry
    jax.lax.fori_loop(0, CPT, _edge, 0)

    def _drain(j, carry):
        pltpu.make_async_copy(vals_v.at[j], agg_sp.at[dst_v.at[j]],
                              sems).wait()
        return carry
    jax.lax.fori_loop(0, CPT, _drain, 0)

    plsc.subcore_barrier()

    @pl.when(s == 0)
    def _writeout():
        pltpu.sync_copy(agg_sp, out_hbm.at[c])


@functools.cache
def _sc_edge_agg():
    return pl.kernel(
        _sc_edge_agg_body,
        mesh=plsc.VectorSubcoreMesh(core_axis_name="c", subcore_axis_name="s"),
        out_type=jax.ShapeDtypeStruct((2, AGG_PAD), jnp.float32),
        scratch_types=[
            pltpu.VMEM_SHARED((N,), jnp.float32),
            pltpu.VMEM_SHARED((AGG_PAD,), jnp.float32),
            pltpu.VMEM((CPT, CHUNK), jnp.int32),
            pltpu.VMEM((CPT, CHUNK), jnp.int32),
            pltpu.VMEM((CPT, CHUNK), jnp.float32),
            pltpu.VMEM((ZSLICE,), jnp.float32),
            pltpu.SemaphoreType.DMA,
            pltpu.SemaphoreType.DMA,
        ],
    )


def _softmax_pool_body(sraw_ref, batch_ref, x_ref, o_ref):
    iota = jax.lax.broadcasted_iota(jnp.int32, (B, BLK), 0)
    neg = jnp.float32(-1e30)

    def p1(i, smax):
        bm = batch_ref[pl.ds(i, 1), :] == iota
        cand = jnp.where(bm, sraw_ref[pl.ds(i, 1), :], neg)
        return jnp.maximum(smax, jnp.max(cand, axis=1, keepdims=True))
    smax = jax.lax.fori_loop(0, NBLK, p1, jnp.full((B, 1), neg, jnp.float32))

    def p2(i, den):
        bm = batch_ref[pl.ds(i, 1), :] == iota
        ssel = jnp.sum(jnp.where(bm, smax, 0.0), axis=0, keepdims=True)
        ex = jnp.exp(sraw_ref[pl.ds(i, 1), :] - ssel)
        return den + jnp.sum(jnp.where(bm, ex, 0.0), axis=1, keepdims=True)
    den = jax.lax.fori_loop(0, NBLK, p2, jnp.zeros((B, 1), jnp.float32))

    rden = 1.0 / (den + 1e-16)

    def p3(i, acc):
        bm = batch_ref[pl.ds(i, 1), :] == iota
        ssel = jnp.sum(jnp.where(bm, smax, 0.0), axis=0, keepdims=True)
        ex = jnp.exp(sraw_ref[pl.ds(i, 1), :] - ssel)
        w = jnp.where(bm, ex * rden, 0.0)
        return acc + _dot3(w, x_ref[pl.ds(i * BLK, BLK), :],
                           (((1,), (0,)), ((), ())))
    o_ref[...] = jax.lax.fori_loop(
        0, NBLK, p3, jnp.zeros((B, D), jnp.float32))


def _softmax_pool(sraw2, batch2, x):
    return pl.pallas_call(
        _softmax_pool_body,
        in_specs=[
            pl.BlockSpec((NBLK, BLK), lambda: (0, 0)),
            pl.BlockSpec((NBLK, BLK), lambda: (0, 0)),
            pl.BlockSpec((N, D), lambda: (0, 0)),
        ],
        out_specs=pl.BlockSpec((B, D), lambda: (0, 0)),
        out_shape=jax.ShapeDtypeStruct((B, D), jnp.float32),
    )(sraw2, batch2, x)


def kernel(x, edge_index, batch, w_rel, b_rel, w_root):
    w2 = jnp.concatenate([w_rel.T, w_root.T], axis=0)
    srel3, sroot3 = _score_proj(x, w2)

    pad = E_PAD - E
    epad = jnp.stack([jnp.zeros((pad,), jnp.int32),
                      jnp.full((pad,), N, jnp.int32)])
    edges4 = jnp.concatenate([edge_index, epad], axis=1) \
        .reshape(2, NTILES, CPT, CHUNK)
    agg2 = _sc_edge_agg()(srel3.reshape(N), edges4)

    sraw2 = (agg2[0, :N] + agg2[1, :N]).reshape(NBLK, BLK) \
        + sroot3.reshape(NBLK, BLK) + b_rel[0]
    return _softmax_pool(sraw2, batch.reshape(NBLK, BLK), x)

# --- scband reference (transcript-rebuilt; emitter-appended) ---
"""Pipeline reference for scband-global-attention-pool-55396488184387 (READ-ONLY COPY).

The authoritative reference and input builder live on the scoring server;
editing this copy changes nothing except your own understanding.
"""

import jax, jax.numpy as jnp
import numpy as np

N = 50000
E = 800000
D = 64
B = 64


def setup_inputs(seed: int = 0) -> dict:
    key = jax.random.key(seed)
    k1, k2, k3, k4, k5 = jax.random.split(key, 5)
    x = jax.random.normal(k1, (N, D), dtype=jnp.float32)
    edge_index = jax.random.randint(k2, (2, E), 0, N, dtype=jnp.int32)
    batch = jnp.sort(jax.random.randint(k3, (N,), 0, B, dtype=jnp.int32))
    # GraphConv(64, 1) score head inside SAGPooling:
    # out = lin_rel(sum_{j->i} x_j) + lin_root(x_i); bias lives in lin_rel
    w_rel = jax.random.normal(k4, (D, 1), dtype=jnp.float32) / np.sqrt(D)
    b_rel = jnp.zeros((1,), dtype=jnp.float32)
    w_root = jax.random.normal(k5, (D, 1), dtype=jnp.float32) / np.sqrt(D)
    return {"x": x, "edge_index": edge_index, "batch": batch,
            "w_rel": w_rel, "b_rel": b_rel, "w_root": w_root}


def reference(x, edge_index, batch, w_rel, b_rel, w_root):
    src = edge_index[0]
    dst = edge_index[1]
    # GraphConv(64 -> 1), aggr='add'
    agg = jax.ops.segment_sum(jnp.take(x, src, axis=0), dst, num_segments=N)
    score = (agg @ w_rel + b_rel + x @ w_root).reshape(-1)
    # SAGPooling with min_score set => score = softmax(score, batch) (per-graph segment softmax)
    smax = jax.ops.segment_max(score, batch, num_segments=B)
    shifted = score - smax[batch]
    ex = jnp.exp(shifted)
    denom = jax.ops.segment_sum(ex, batch, num_segments=B)
    score = ex / (denom[batch] + 1e-16)
    # topk(score, ratio, batch, min_score=-1): keep nodes with score > min(scores_max - tol, min_score)
    scores_max = jax.ops.segment_max(score, batch, num_segments=B)[batch]
    scores_min = jnp.minimum(scores_max - 1e-7, -1.0)
    mask = (score > scores_min).astype(x.dtype)  # softmax scores > 0 > -1 => all nodes kept
    # x = x[perm] * score[perm]; with full perm this is elementwise masking/scaling
    xw = x * (score * mask)[:, None]
    # global_add_pool(att_x, h_att_batch)
    out = jax.ops.segment_sum(xw, batch, num_segments=B)
    return out

if __name__ == "__main__":
    import jax
    _d = setup_inputs()
    print(jax.jit(kernel)(*tuple(_d.values())))

</pallas_src>

<mosaic_0001>
#map = affine_map<(d0, d1) -> (0)>
#map1 = affine_map<(d0, d1) -> (0, 0, 0, 0)>
#map2 = affine_map<(d0, d1) -> (0, 0)>
module attributes {stable_mosaic.version = 14 : i64} {
  func.func @_sc_edge_agg_body(%arg0: i32, %arg1: i32, %arg2: memref<50000xf32, #tpu.memory_space<hbm>>, %arg3: memref<2x32x196x128xi32, #tpu.memory_space<hbm>>, %arg4: memref<2x50176xf32, #tpu.memory_space<hbm>>, %arg5: memref<50000xf32, #tpu.memory_space<vmem_shared>>, %arg6: memref<50176xf32, #tpu.memory_space<vmem_shared>>, %arg7: memref<196x128xi32, #tpu.memory_space<vmem>>, %arg8: memref<196x128xi32, #tpu.memory_space<vmem>>, %arg9: memref<196x128xf32, #tpu.memory_space<vmem>>, %arg10: memref<3136xf32, #tpu.memory_space<vmem>>, %arg11: memref<!tpu.dma_semaphore, #tpu.memory_space<semaphore_mem>>, %arg12: memref<!tpu.dma_semaphore, #tpu.memory_space<semaphore_mem>>) attributes {dimension_semantics = [#tpu.dimension_semantics<core_parallel>, #tpu.dimension_semantics<subcore_parallel>], iteration_bounds = array<i64: 2, 16>, scalar_prefetch = 0 : i64, scratch_operands = 8 : i64, tpu.core_type = #tpu.core_type<sc_vector_subcore>, window_params = [{transform_indices = #map}, {transform_indices = #map1}, {transform_indices = #map2}]} {
    %mul3A = arith.constant 16 : i32
    %mul3A_0 = arith.muli %arg0, %mul3A : i32
    %add3A = arith.addi %mul3A_0, %arg1 : i32
    %scan3A = arith.constant 0 : i32
    %scan3A_1 = arith.constant 0 : i32
    %scan3A_2 = arith.constant 196 : i32
    %scan3A_3 = arith.addi %scan3A_1, %scan3A_2 : i32
    %scan3A_4 = arith.constant 1 : i32
    scf.for %scan3A_108 = %scan3A_1 to %scan3A_3 step %scan3A_4  : i32 {
      %broadcast_in_dim3A = arith.constant 0.000000e+00 : f32
      %broadcast_in_dim3A_109 = vector.broadcast %broadcast_in_dim3A : f32 to vector<16xf32>
      %mul3A_110 = arith.constant 16 : i32
      %mul3A_111 = arith.muli %scan3A_108, %mul3A_110 : i32
      %swap3A = arith.index_cast %mul3A_111 : i32 to index
      %swap3A_112 = tpu.vector_load %arg10[%swap3A] {strides = array<i32>} : memref<3136xf32, #tpu.memory_space<vmem>>, vector<16xf32>,
      %swap3A_113 = vector.shape_cast %swap3A_112 : vector<16xf32> to vector<16xf32>
      %swap3A_114 = vector.shape_cast %broadcast_in_dim3A_109 : vector<16xf32> to vector<16xf32>
      tpu.vector_store %arg10[%swap3A], %swap3A_114 {strides = array<i32>} : memref<3136xf32, #tpu.memory_space<vmem>>, vector<16xf32>,
    }
    %scan3A_5 = arith.constant 196 : i32
    %mul3A_6 = arith.constant 3136 : i32
    %mul3A_7 = arith.muli %arg1, %mul3A_6 : i32
    "tpu.region"() ({
      %run_scoped3A_108 = tpu.sem_alloc : memref<!tpu.dma_semaphore, #tpu.memory_space<semaphore_mem>>
      %dma_start3A_109 = tpu.memref_slice %arg6[%mul3A_7] : memref<50176xf32, #tpu.memory_space<vmem_shared>> -> memref<3136xf32, #tpu.memory_space<vmem_shared>>
      %dma_start3A_110 = tpu.memref_slice %arg6[%mul3A_7] : memref<50176xf32, #tpu.memory_space<vmem_shared>> -> memref<3136xf32, #tpu.memory_space<vmem_shared>>
      tpu.enqueue_dma source(%arg10 : memref<3136xf32, #tpu.memory_space<vmem>>) target(%dma_start3A_110 : memref<3136xf32, #tpu.memory_space<vmem_shared>>) target_semaphore(%run_scoped3A_108 : memref<!tpu.dma_semaphore, #tpu.memory_space<semaphore_mem>>)
      %dma_wait3A = tpu.memref_slice %arg6[%mul3A_7] : memref<50176xf32, #tpu.memory_space<vmem_shared>> -> memref<3136xf32, #tpu.memory_space<vmem_shared>>
      %dma_wait3A_111 = tpu.memref_slice %arg6[%mul3A_7] : memref<50176xf32, #tpu.memory_space<vmem_shared>> -> memref<3136xf32, #tpu.memory_space<vmem_shared>>
      tpu.wait_dma2 semaphore(%run_scoped3A_108 : memref<!tpu.dma_semaphore, #tpu.memory_space<semaphore_mem>>) src(%arg10 : memref<3136xf32, #tpu.memory_space<vmem>>) dst(%dma_wait3A_111 : memref<3136xf32, #tpu.memory_space<vmem_shared>>)
      tpu.yield
    }) : () -> ()
    %eq3A = arith.constant 0 : i32
    %eq3A_8 = arith.cmpi eq, %arg1, %eq3A : i32
    %convert_element_type3A = arith.extui %eq3A_8 : i1 to i32
    %cond3A = arith.constant 0 : i32
    %cond3A_9 = arith.cmpi ne, %convert_element_type3A, %cond3A : i32
    scf.if %cond3A_9 {
      "tpu.region"() ({
        %run_scoped3A_108 = tpu.sem_alloc : memref<!tpu.dma_semaphore, #tpu.memory_space<semaphore_mem>>
        tpu.enqueue_dma source(%arg2 : memref<50000xf32, #tpu.memory_space<hbm>>) target(%arg5 : memref<50000xf32, #tpu.memory_space<vmem_shared>>) target_semaphore(%run_scoped3A_108 : memref<!tpu.dma_semaphore, #tpu.memory_space<semaphore_mem>>)
        tpu.wait_dma2 semaphore(%run_scoped3A_108 : memref<!tpu.dma_semaphore, #tpu.memory_space<semaphore_mem>>) src(%arg2 : memref<50000xf32, #tpu.memory_space<hbm>>) dst(%arg5 : memref<50000xf32, #tpu.memory_space<vmem_shared>>)
        tpu.yield
      }) : () -> ()
    } else {
    }
    %barrier3A = arith.constant 0 : index
    tpu.barrier barrier_id(%barrier3A)
    %run_scoped3A = arith.constant 0 : i32
    "tpu.region"() ({
      %run_scoped3A_108 = tpu.sem_alloc : memref<!tpu.dma_semaphore, #tpu.memory_space<semaphore_mem>>
      %dma_start3A_109 = arith.constant 0 : i32
      %dma_start3A_110 = arith.constant 0 : i32
      %dma_start3A_111 = tpu.memref_slice %arg3[%run_scoped3A, %add3A, %dma_start3A_109, %dma_start3A_110] : memref<2x32x196x128xi32, #tpu.memory_space<hbm>> -> memref<1x1x196x128xi32, #tpu.memory_space<hbm>>
      %dma_start3A_112 = tpu.memref_squeeze %dma_start3A_111 : memref<1x1x196x128xi32, #tpu.memory_space<hbm>> -> memref<196x128xi32, #tpu.memory_space<hbm>>
      %dma_start3A_113 = arith.constant 0 : i32
      %dma_start3A_114 = arith.constant 0 : i32
      %dma_start3A_115 = tpu.memref_slice %arg3[%run_scoped3A, %add3A, %dma_start3A_113, %dma_start3A_114] : memref<2x32x196x128xi32, #tpu.memory_space<hbm>> -> memref<1x1x196x128xi32, #tpu.memory_space<hbm>>
      %dma_start3A_116 = tpu.memref_squeeze %dma_start3A_115 : memref<1x1x196x128xi32, #tpu.memory_space<hbm>> -> memref<196x128xi32, #tpu.memory_space<hbm>>
      tpu.enqueue_dma source(%dma_start3A_116 : memref<196x128xi32, #tpu.memory_space<hbm>>) target(%arg7 : memref<196x128xi32, #tpu.memory_space<vmem>>) target_semaphore(%run_scoped3A_108 : memref<!tpu.dma_semaphore, #tpu.memory_space<semaphore_mem>>)
      %dma_wait3A = arith.constant 0 : i32
      %dma_wait3A_117 = arith.constant 0 : i32
      %dma_wait3A_118 = tpu.memref_slice %arg3[%run_scoped3A, %add3A, %dma_wait3A, %dma_wait3A_117] : memref<2x32x196x128xi32, #tpu.memory_space<hbm>> -> memref<1x1x196x128xi32, #tpu.memory_space<hbm>>
      %dma_wait3A_119 = tpu.memref_squeeze %dma_wait3A_118 : memref<1x1x196x128xi32, #tpu.memory_space<hbm>> -> memref<196x128xi32, #tpu.memory_space<hbm>>
      %dma_wait3A_120 = arith.constant 0 : i32
      %dma_wait3A_121 = arith.constant 0 : i32
      %dma_wait3A_122 = tpu.memref_slice %arg3[%run_scoped3A, %add3A, %dma_wait3A_120, %dma_wait3A_121] : memref<2x32x196x128xi32, #tpu.memory_space<hbm>> -> memref<1x1x196x128xi32, #tpu.memory_space<hbm>>
      %dma_wait3A_123 = tpu.memref_squeeze %dma_wait3A_122 : memref<1x1x196x128xi32, #tpu.memory_space<hbm>> -> memref<196x128xi32, #tpu.memory_space<hbm>>
      tpu.wait_dma2 semaphore(%run_scoped3A_108 : memref<!tpu.dma_semaphore, #tpu.memory_space<semaphore_mem>>) src(%dma_wait3A_123 : memref<196x128xi32, #tpu.memory_space<hbm>>) dst(%arg7 : memref<196x128xi32, #tpu.memory_space<vmem>>)
      tpu.yield
    }) : () -> ()
    %run_scoped3A_10 = arith.constant 1 : i32
    "tpu.region"() ({
      %run_scoped3A_108 = tpu.sem_alloc : memref<!tpu.dma_semaphore, #tpu.memory_space<semaphore_mem>>
      %dma_start3A_109 = arith.constant 0 : i32
      %dma_start3A_110 = arith.constant 0 : i32
      %dma_start3A_111 = tpu.memref_slice %arg3[%run_scoped3A_10, %add3A, %dma_start3A_109, %dma_start3A_110] : memref<2x32x196x128xi32, #tpu.memory_space<hbm>> -> memref<1x1x196x128xi32, #tpu.memory_space<hbm>>
      %dma_start3A_112 = tpu.memref_squeeze %dma_start3A_111 : memref<1x1x196x128xi32, #tpu.memory_space<hbm>> -> memref<196x128xi32, #tpu.memory_space<hbm>>
      %dma_start3A_113 = arith.constant 0 : i32
      %dma_start3A_114 = arith.constant 0 : i32
      %dma_start3A_115 = tpu.memref_slice %arg3[%run_scoped3A_10, %add3A, %dma_start3A_113, %dma_start3A_114] : memref<2x32x196x128xi32, #tpu.memory_space<hbm>> -> memref<1x1x196x128xi32, #tpu.memory_space<hbm>>
      %dma_start3A_116 = tpu.memref_squeeze %dma_start3A_115 : memref<1x1x196x128xi32, #tpu.memory_space<hbm>> -> memref<196x128xi32, #tpu.memory_space<hbm>>
      tpu.enqueue_dma source(%dma_start3A_116 : memref<196x128xi32, #tpu.memory_space<hbm>>) target(%arg8 : memref<196x128xi32, #tpu.memory_space<vmem>>) target_semaphore(%run_scoped3A_108 : memref<!tpu.dma_semaphore, #tpu.memory_space<semaphore_mem>>)
      %dma_wait3A = arith.constant 0 : i32
      %dma_wait3A_117 = arith.constant 0 : i32
      %dma_wait3A_118 = tpu.memref_slice %arg3[%run_scoped3A_10, %add3A, %dma_wait3A, %dma_wait3A_117] : memref<2x32x196x128xi32, #tpu.memory_space<hbm>> -> memref<1x1x196x128xi32, #tpu.memory_space<hbm>>
      %dma_wait3A_119 = tpu.memref_squeeze %dma_wait3A_118 : memref<1x1x196x128xi32, #tpu.memory_space<hbm>> -> memref<196x128xi32, #tpu.memory_space<hbm>>
      %dma_wait3A_120 = arith.constant 0 : i32
      %dma_wait3A_121 = arith.constant 0 : i32
      %dma_wait3A_122 = tpu.memref_slice %arg3[%run_scoped3A_10, %add3A, %dma_wait3A_120, %dma_wait3A_121] : memref<2x32x196x128xi32, #tpu.memory_space<hbm>> -> memref<1x1x196x128xi32, #tpu.memory_space<hbm>>
      %dma_wait3A_123 = tpu.memref_squeeze %dma_wait3A_122 : memref<1x1x196x128xi32, #tpu.memory_space<hbm>> -> memref<196x128xi32, #tpu.memory_space<hbm>>
      tpu.wait_dma2 semaphore(%run_scoped3A_108 : memref<!tpu.dma_semaphore, #tpu.memory_space<semaphore_mem>>) src(%dma_wait3A_123 : memref<196x128xi32, #tpu.memory_space<hbm>>) dst(%arg8 : memref<196x128xi32, #tpu.memory_space<vmem>>)
      tpu.yield
    }) : () -> ()
    %dma_start3A = arith.constant 0 : i32
    %dma_start3A_11 = arith.constant 0 : i32
    %dma_start3A_12 = arith.constant 0 : i32
    %dma_start3A_13 = tpu.memref_slice %arg9[%dma_start3A_11, %dma_start3A_12] : memref<196x128xf32, #tpu.memory_space<vmem>> -> memref<1x128xf32, #tpu.memory_space<vmem>>
    %dma_start3A_14 = tpu.memref_squeeze %dma_start3A_13 : memref<1x128xf32, #tpu.memory_space<vmem>> -> memref<128xf32, #tpu.memory_space<vmem>>
    %dma_start3A_15 = arith.constant 0 : i32
    %dma_start3A_16 = tpu.memref_slice %arg7[%dma_start3A, %dma_start3A_15] : memref<196x128xi32, #tpu.memory_space<vmem>> -> memref<1x128xi32, #tpu.memory_space<vmem>>
    %dma_start3A_17 = tpu.memref_squeeze %dma_start3A_16 : memref<1x128xi32, #tpu.memory_space<vmem>> -> memref<128xi32, #tpu.memory_space<vmem>>
    %dma_start3A_18 = arith.constant 0 : i32
    %dma_start3A_19 = tpu.memref_slice %arg5[%dma_start3A_18] : memref<50000xf32, #tpu.memory_space<vmem_shared>> -> memref<50000xf32, #tpu.memory_space<vmem_shared>>
    tpu.enqueue_indirect_dma source(%dma_start3A_19 : memref<50000xf32, #tpu.memory_space<vmem_shared>>) target(%dma_start3A_14 : memref<128xf32, #tpu.memory_space<vmem>>) offsets(%dma_start3A_17 : memref<128xi32, #tpu.memory_space<vmem>>) semaphore(%arg11 : memref<!tpu.dma_semaphore, #tpu.memory_space<semaphore_mem>>)
    %dma_start3A_20 = arith.constant 1 : i32
    %dma_start3A_21 = arith.constant 1 : i32
    %dma_start3A_22 = arith.constant 0 : i32
    %dma_start3A_23 = tpu.memref_slice %arg9[%dma_start3A_21, %dma_start3A_22] : memref<196x128xf32, #tpu.memory_space<vmem>> -> memref<1x128xf32, #tpu.memory_space<vmem>>
    %dma_start3A_24 = tpu.memref_squeeze %dma_start3A_23 : memref<1x128xf32, #tpu.memory_space<vmem>> -> memref<128xf32, #tpu.memory_space<vmem>>
    %dma_start3A_25 = arith.constant 0 : i32
    %dma_start3A_26 = tpu.memref_slice %arg7[%dma_start3A_20, %dma_start3A_25] : memref<196x128xi32, #tpu.memory_space<vmem>> -> memref<1x128xi32, #tpu.memory_space<vmem>>
    %dma_start3A_27 = tpu.memref_squeeze %dma_start3A_26 : memref<1x128xi32, #tpu.memory_space<vmem>> -> memref<128xi32, #tpu.memory_space<vmem>>
    %dma_start3A_28 = arith.constant 0 : i32
    %dma_start3A_29 = tpu.memref_slice %arg5[%dma_start3A_28] : memref<50000xf32, #tpu.memory_space<vmem_shared>> -> memref<50000xf32, #tpu.memory_space<vmem_shared>>
    tpu.enqueue_indirect_dma source(%dma_start3A_29 : memref<50000xf32, #tpu.memory_space<vmem_shared>>) target(%dma_start3A_24 : memref<128xf32, #tpu.memory_space<vmem>>) offsets(%dma_start3A_27 : memref<128xi32, #tpu.memory_space<vmem>>) semaphore(%arg11 : memref<!tpu.dma_semaphore, #tpu.memory_space<semaphore_mem>>)
    %dma_start3A_30 = arith.constant 2 : i32
    %dma_start3A_31 = arith.constant 2 : i32
    %dma_start3A_32 = arith.constant 0 : i32
    %dma_start3A_33 = tpu.memref_slice %arg9[%dma_start3A_31, %dma_start3A_32] : memref<196x128xf32, #tpu.memory_space<vmem>> -> memref<1x128xf32, #tpu.memory_space<vmem>>
    %dma_start3A_34 = tpu.memref_squeeze %dma_start3A_33 : memref<1x128xf32, #tpu.memory_space<vmem>> -> memref<128xf32, #tpu.memory_space<vmem>>
    %dma_start3A_35 = arith.constant 0 : i32
    %dma_start3A_36 = tpu.memref_slice %arg7[%dma_start3A_30, %dma_start3A_35] : memref<196x128xi32, #tpu.memory_space<vmem>> -> memref<1x128xi32, #tpu.memory_space<vmem>>
    %dma_start3A_37 = tpu.memref_squeeze %dma_start3A_36 : memref<1x128xi32, #tpu.memory_space<vmem>> -> memref<128xi32, #tpu.memory_space<vmem>>
    %dma_start3A_38 = arith.constant 0 : i32
    %dma_start3A_39 = tpu.memref_slice %arg5[%dma_start3A_38] : memref<50000xf32, #tpu.memory_space<vmem_shared>> -> memref<50000xf32, #tpu.memory_space<vmem_shared>>
    tpu.enqueue_indirect_dma source(%dma_start3A_39 : memref<50000xf32, #tpu.memory_space<vmem_shared>>) target(%dma_start3A_34 : memref<128xf32, #tpu.memory_space<vmem>>) offsets(%dma_start3A_37 : memref<128xi32, #tpu.memory_space<vmem>>) semaphore(%arg11 : memref<!tpu.dma_semaphore, #tpu.memory_space<semaphore_mem>>)
    %dma_start3A_40 = arith.constant 3 : i32
    %dma_start3A_41 = arith.constant 3 : i32
    %dma_start3A_42 = arith.constant 0 : i32
    %dma_start3A_43 = tpu.memref_slice %arg9[%dma_start3A_41, %dma_start3A_42] : memref<196x128xf32, #tpu.memory_space<vmem>> -> memref<1x128xf32, #tpu.memory_space<vmem>>
    %dma_start3A_44 = tpu.memref_squeeze %dma_start3A_43 : memref<1x128xf32, #tpu.memory_space<vmem>> -> memref<128xf32, #tpu.memory_space<vmem>>
    %dma_start3A_45 = arith.constant 0 : i32
    %dma_start3A_46 = tpu.memref_slice %arg7[%dma_start3A_40, %dma_start3A_45] : memref<196x128xi32, #tpu.memory_space<vmem>> -> memref<1x128xi32, #tpu.memory_space<vmem>>
    %dma_start3A_47 = tpu.memref_squeeze %dma_start3A_46 : memref<1x128xi32, #tpu.memory_space<vmem>> -> memref<128xi32, #tpu.memory_space<vmem>>
    %dma_start3A_48 = arith.constant 0 : i32
    %dma_start3A_49 = tpu.memref_slice %arg5[%dma_start3A_48] : memref<50000xf32, #tpu.memory_space<vmem_shared>> -> memref<50000xf32, #tpu.memory_space<vmem_shared>>
    tpu.enqueue_indirect_dma source(%dma_start3A_49 : memref<50000xf32, #tpu.memory_space<vmem_shared>>) target(%dma_start3A_44 : memref<128xf32, #tpu.memory_space<vmem>>) offsets(%dma_start3A_47 : memref<128xi32, #tpu.memory_space<vmem>>) semaphore(%arg11 : memref<!tpu.dma_semaphore, #tpu.memory_space<semaphore_mem>>)
    %dma_start3A_50 = arith.constant 4 : i32
    %dma_start3A_51 = arith.constant 4 : i32
    %dma_start3A_52 = arith.constant 0 : i32
    %dma_start3A_53 = tpu.memref_slice %arg9[%dma_start3A_51, %dma_start3A_52] : memref<196x128xf32, #tpu.memory_space<vmem>> -> memref<1x128xf32, #tpu.memory_space<vmem>>
    %dma_start3A_54 = tpu.memref_squeeze %dma_start3A_53 : memref<1x128xf32, #tpu.memory_space<vmem>> -> memref<128xf32, #tpu.memory_space<vmem>>
    %dma_start3A_55 = arith.constant 0 : i32
    %dma_start3A_56 = tpu.memref_slice %arg7[%dma_start3A_50, %dma_start3A_55] : memref<196x128xi32, #tpu.memory_space<vmem>> -> memref<1x128xi32, #tpu.memory_space<vmem>>
    %dma_start3A_57 = tpu.memref_squeeze %dma_start3A_56 : memref<1x128xi32, #tpu.memory_space<vmem>> -> memref<128xi32, #tpu.memory_space<vmem>>
    %dma_start3A_58 = arith.constant 0 : i32
    %dma_start3A_59 = tpu.memref_slice %arg5[%dma_start3A_58] : memref<50000xf32, #tpu.memory_space<vmem_shared>> -> memref<50000xf32, #tpu.memory_space<vmem_shared>>
    tpu.enqueue_indirect_dma source(%dma_start3A_59 : memref<50000xf32, #tpu.memory_space<vmem_shared>>) target(%dma_start3A_54 : memref<128xf32, #tpu.memory_space<vmem>>) offsets(%dma_start3A_57 : memref<128xi32, #tpu.memory_space<vmem>>) semaphore(%arg11 : memref<!tpu.dma_semaphore, #tpu.memory_space<semaphore_mem>>)
    %dma_start3A_60 = arith.constant 5 : i32
    %dma_start3A_61 = arith.constant 5 : i32
    %dma_start3A_62 = arith.constant 0 : i32
    %dma_start3A_63 = tpu.memref_slice %arg9[%dma_start3A_61, %dma_start3A_62] : memref<196x128xf32, #tpu.memory_space<vmem>> -> memref<1x128xf32, #tpu.memory_space<vmem>>
    %dma_start3A_64 = tpu.memref_squeeze %dma_start3A_63 : memref<1x128xf32, #tpu.memory_space<vmem>> -> memref<128xf32, #tpu.memory_space<vmem>>
    %dma_start3A_65 = arith.constant 0 : i32
    %dma_start3A_66 = tpu.memref_slice %arg7[%dma_start3A_60, %dma_start3A_65] : memref<196x128xi32, #tpu.memory_space<vmem>> -> memref<1x128xi32, #tpu.memory_space<vmem>>
    %dma_start3A_67 = tpu.memref_squeeze %dma_start3A_66 : memref<1x128xi32, #tpu.memory_space<vmem>> -> memref<128xi32, #tpu.memory_space<vmem>>
    %dma_start3A_68 = arith.constant 0 : i32
    %dma_start3A_69 = tpu.memref_slice %arg5[%dma_start3A_68] : memref<50000xf32, #tpu.memory_space<vmem_shared>> -> memref<50000xf32, #tpu.memory_space<vmem_shared>>
    tpu.enqueue_indirect_dma source(%dma_start3A_69 : memref<50000xf32, #tpu.memory_space<vmem_shared>>) target(%dma_start3A_64 : memref<128xf32, #tpu.memory_space<vmem>>) offsets(%dma_start3A_67 : memref<128xi32, #tpu.memory_space<vmem>>) semaphore(%arg11 : memref<!tpu.dma_semaphore, #tpu.memory_space<semaphore_mem>>)
    %dma_start3A_70 = arith.constant 6 : i32
    %dma_start3A_71 = arith.constant 6 : i32
    %dma_start3A_72 = arith.constant 0 : i32
    %dma_start3A_73 = tpu.memref_slice %arg9[%dma_start3A_71, %dma_start3A_72] : memref<196x128xf32, #tpu.memory_space<vmem>> -> memref<1x128xf32, #tpu.memory_space<vmem>>
    %dma_start3A_74 = tpu.memref_squeeze %dma_start3A_73 : memref<1x128xf32, #tpu.memory_space<vmem>> -> memref<128xf32, #tpu.memory_space<vmem>>
    %dma_start3A_75 = arith.constant 0 : i32
    %dma_start3A_76 = tpu.memref_slice %arg7[%dma_start3A_70, %dma_start3A_75] : memref<196x128xi32, #tpu.memory_space<vmem>> -> memref<1x128xi32, #tpu.memory_space<vmem>>
    %dma_start3A_77 = tpu.memref_squeeze %dma_start3A_76 : memref<1x128xi32, #tpu.memory_space<vmem>> -> memref<128xi32, #tpu.memory_space<vmem>>
    %dma_start3A_78 = arith.constant 0 : i32
    %dma_start3A_79 = tpu.memref_slice %arg5[%dma_start3A_78] : memref<50000xf32, #tpu.memory_space<vmem_shared>> -> memref<50000xf32, #tpu.memory_space<vmem_shared>>
    tpu.enqueue_indirect_dma source(%dma_start3A_79 : memref<50000xf32, #tpu.memory_space<vmem_shared>>) target(%dma_start3A_74 : memref<128xf32, #tpu.memory_space<vmem>>) offsets(%dma_start3A_77 : memref<128xi32, #tpu.memory_space<vmem>>) semaphore(%arg11 : memref<!tpu.dma_semaphore, #tpu.memory_space<semaphore_mem>>)
    %dma_start3A_80 = arith.constant 7 : i32
    %dma_start3A_81 = arith.constant 7 : i32
    %dma_start3A_82 = arith.constant 0 : i32
    %dma_start3A_83 = tpu.memref_slice %arg9[%dma_start3A_81, %dma_start3A_82] : memref<196x128xf32, #tpu.memory_space<vmem>> -> memref<1x128xf32, #tpu.memory_space<vmem>>
    %dma_start3A_84 = tpu.memref_squeeze %dma_start3A_83 : memref<1x128xf32, #tpu.memory_space<vmem>> -> memref<128xf32, #tpu.memory_space<vmem>>
    %dma_start3A_85 = arith.constant 0 : i32
    %dma_start3A_86 = tpu.memref_slice %arg7[%dma_start3A_80, %dma_start3A_85] : memref<196x128xi32, #tpu.memory_space<vmem>> -> memref<1x128xi32, #tpu.memory_space<vmem>>
    %dma_start3A_87 = tpu.memref_squeeze %dma_start3A_86 : memref<1x128xi32, #tpu.memory_space<vmem>> -> memref<128xi32, #tpu.memory_space<vmem>>
    %dma_start3A_88 = arith.constant 0 : i32
    %dma_start3A_89 = tpu.memref_slice %arg5[%dma_start3A_88] : memref<50000xf32, #tpu.memory_space<vmem_shared>> -> memref<50000xf32, #tpu.memory_space<vmem_shared>>
    tpu.enqueue_indirect_dma source(%dma_start3A_89 : memref<50000xf32, #tpu.memory_space<vmem_shared>>) target(%dma_start3A_84 : memref<128xf32, #tpu.memory_space<vmem>>) offsets(%dma_start3A_87 : memref<128xi32, #tpu.memory_space<vmem>>) semaphore(%arg11 : memref<!tpu.dma_semaphore, #tpu.memory_space<semaphore_mem>>)
    %scan3A_90 = arith.constant 0 : i32
    %scan3A_91 = arith.constant 0 : i32
    %scan3A_92 = arith.constant 196 : i32
    %scan3A_93 = arith.addi %scan3A_91, %scan3A_92 : i32
    %scan3A_94 = arith.constant 1 : i32
    scf.for %scan3A_108 = %scan3A_91 to %scan3A_93 step %scan3A_94  : i32 {
      %dma_wait3A = arith.constant 0 : i32
      %dma_wait3A_109 = tpu.memref_slice %arg9[%scan3A_108, %dma_wait3A] : memref<196x128xf32, #tpu.memory_space<vmem>> -> memref<1x128xf32, #tpu.memory_space<vmem>>
      %dma_wait3A_110 = tpu.memref_squeeze %dma_wait3A_109 : memref<1x128xf32, #tpu.memory_space<vmem>> -> memref<128xf32, #tpu.memory_space<vmem>>
      %dma_wait3A_111 = arith.constant 0 : i32
      %dma_wait3A_112 = tpu.memref_slice %arg7[%scan3A_108, %dma_wait3A_111] : memref<196x128xi32, #tpu.memory_space<vmem>> -> memref<1x128xi32, #tpu.memory_space<vmem>>
      %dma_wait3A_113 = tpu.memref_squeeze %dma_wait3A_112 : memref<1x128xi32, #tpu.memory_space<vmem>> -> memref<128xi32, #tpu.memory_space<vmem>>
      %dma_wait3A_114 = arith.constant 0 : i32
      %dma_wait3A_115 = tpu.memref_slice %arg5[%dma_wait3A_114] : memref<50000xf32, #tpu.memory_space<vmem_shared>> -> memref<50000xf32, #tpu.memory_space<vmem_shared>>
      tpu.wait_indirect_dma semaphore(%arg11 : memref<!tpu.dma_semaphore, #tpu.memory_space<semaphore_mem>>) src(%dma_wait3A_115 : memref<50000xf32, #tpu.memory_space<vmem_shared>>) dst(%dma_wait3A_110 : memref<128xf32, #tpu.memory_space<vmem>>)
      %dma_start3A_116 = arith.constant 0 : i32
      %dma_start3A_117 = tpu.memref_slice %arg9[%scan3A_108, %dma_start3A_116] : memref<196x128xf32, #tpu.memory_space<vmem>> -> memref<1x128xf32, #tpu.memory_space<vmem>>
      %dma_start3A_118 = tpu.memref_squeeze %dma_start3A_117 : memref<1x128xf32, #tpu.memory_space<vmem>> -> memref<128xf32, #tpu.memory_space<vmem>>
      %dma_start3A_119 = arith.constant 0 : i32
      %dma_start3A_120 = tpu.memref_slice %arg8[%scan3A_108, %dma_start3A_119] : memref<196x128xi32, #tpu.memory_space<vmem>> -> memref<1x128xi32, #tpu.memory_space<vmem>>
      %dma_start3A_121 = tpu.memref_squeeze %dma_start3A_120 : memref<1x128xi32, #tpu.memory_space<vmem>> -> memref<128xi32, #tpu.memory_space<vmem>>
      %dma_start3A_122 = arith.constant 0 : i32
      %dma_start3A_123 = tpu.memref_slice %arg6[%dma_start3A_122] : memref<50176xf32, #tpu.memory_space<vmem_shared>> -> memref<50176xf32, #tpu.memory_space<vmem_shared>>
      tpu.enqueue_indirect_dma source(%dma_start3A_118 : memref<128xf32, #tpu.memory_space<vmem>>) target(%dma_start3A_123 : memref<50176xf32, #tpu.memory_space<vmem_shared>>) offsets(%dma_start3A_121 : memref<128xi32, #tpu.memory_space<vmem>>) semaphore(%arg12 : memref<!tpu.dma_semaphore, #tpu.memory_space<semaphore_mem>>) {add = true}
      %add3A_124 = arith.constant 8 : i32
      %add3A_125 = arith.addi %scan3A_108, %add3A_124 : i32
      %lt3A = arith.constant 196 : i32
      %lt3A_126 = arith.cmpi slt, %add3A_125, %lt3A : i32
      %convert_element_type3A_127 = arith.extui %lt3A_126 : i1 to i32
      %cond3A_128 = arith.constant 0 : i32
      %cond3A_129 = arith.cmpi ne, %convert_element_type3A_127, %cond3A_128 : i32
      scf.if %cond3A_129 {
        %add3A_130 = arith.constant 8 : i32
        %add3A_131 = arith.addi %scan3A_108, %add3A_130 : i32
        %dma_start3A_132 = arith.constant 0 : i32
        %dma_start3A_133 = tpu.memref_slice %arg9[%add3A_131, %dma_start3A_132] : memref<196x128xf32, #tpu.memory_space<vmem>> -> memref<1x128xf32, #tpu.memory_space<vmem>>
        %dma_start3A_134 = tpu.memref_squeeze %dma_start3A_133 : memref<1x128xf32, #tpu.memory_space<vmem>> -> memref<128xf32, #tpu.memory_space<vmem>>
        %dma_start3A_135 = arith.constant 0 : i32
        %dma_start3A_136 = tpu.memref_slice %arg7[%add3A_131, %dma_start3A_135] : memref<196x128xi32, #tpu.memory_space<vmem>> -> memref<1x128xi32, #tpu.memory_space<vmem>>
        %dma_start3A_137 = tpu.memref_squeeze %dma_start3A_136 : memref<1x128xi32, #tpu.memory_space<vmem>> -> memref<128xi32, #tpu.memory_space<vmem>>
        %dma_start3A_138 = arith.constant 0 : i32
        %dma_start3A_139 = tpu.memref_slice %arg5[%dma_start3A_138] : memref<50000xf32, #tpu.memory_space<vmem_shared>> -> memref<50000xf32, #tpu.memory_space<vmem_shared>>
        tpu.enqueue_indirect_dma source(%dma_start3A_139 : memref<50000xf32, #tpu.memory_space<vmem_shared>>) target(%dma_start3A_134 : memref<128xf32, #tpu.memory_space<vmem>>) offsets(%dma_start3A_137 : memref<128xi32, #tpu.memory_space<vmem>>) semaphore(%arg11 : memref<!tpu.dma_semaphore, #tpu.memory_space<semaphore_mem>>)
      } else {
      }
    }
    %scan3A_95 = arith.constant 196 : i32
    %scan3A_96 = arith.constant 0 : i32
    %scan3A_97 = arith.constant 0 : i32
    %scan3A_98 = arith.constant 196 : i32
    %scan3A_99 = arith.addi %scan3A_97, %scan3A_98 : i32
    %scan3A_100 = arith.constant 1 : i32
    scf.for %scan3A_108 = %scan3A_97 to %scan3A_99 step %scan3A_100  : i32 {
      %dma_wait3A = arith.constant 0 : i32
      %dma_wait3A_109 = tpu.memref_slice %arg9[%scan3A_108, %dma_wait3A] : memref<196x128xf32, #tpu.memory_space<vmem>> -> memref<1x128xf32, #tpu.memory_space<vmem>>
      %dma_wait3A_110 = tpu.memref_squeeze %dma_wait3A_109 : memref<1x128xf32, #tpu.memory_space<vmem>> -> memref<128xf32, #tpu.memory_space<vmem>>
      %dma_wait3A_111 = arith.constant 0 : i32
      %dma_wait3A_112 = tpu.memref_slice %arg8[%scan3A_108, %dma_wait3A_111] : memref<196x128xi32, #tpu.memory_space<vmem>> -> memref<1x128xi32, #tpu.memory_space<vmem>>
      %dma_wait3A_113 = tpu.memref_squeeze %dma_wait3A_112 : memref<1x128xi32, #tpu.memory_space<vmem>> -> memref<128xi32, #tpu.memory_space<vmem>>
      %dma_wait3A_114 = arith.constant 0 : i32
      %dma_wait3A_115 = tpu.memref_slice %arg6[%dma_wait3A_114] : memref<50176xf32, #tpu.memory_space<vmem_shared>> -> memref<50176xf32, #tpu.memory_space<vmem_shared>>
      tpu.wait_indirect_dma semaphore(%arg12 : memref<!tpu.dma_semaphore, #tpu.memory_space<semaphore_mem>>) src(%dma_wait3A_110 : memref<128xf32, #tpu.memory_space<vmem>>) dst(%dma_wait3A_115 : memref<50176xf32, #tpu.memory_space<vmem_shared>>)
    }
    %scan3A_101 = arith.constant 196 : i32
    %barrier3A_102 = arith.constant 0 : index
    tpu.barrier barrier_id(%barrier3A_102)
    %eq3A_103 = arith.constant 0 : i32
    %eq3A_104 = arith.cmpi eq, %arg1, %eq3A_103 : i32
    %convert_element_type3A_105 = arith.extui %eq3A_104 : i1 to i32
    %cond3A_106 = arith.constant 0 : i32
    %cond3A_107 = arith.cmpi ne, %convert_element_type3A_105, %cond3A_106 : i32
    scf.if %cond3A_107 {
      "tpu.region"() ({
        %run_scoped3A_108 = tpu.sem_alloc : memref<!tpu.dma_semaphore, #tpu.memory_space<semaphore_mem>>
        %dma_start3A_109 = arith.constant 0 : i32
        %dma_start3A_110 = tpu.memref_slice %arg4[%arg0, %dma_start3A_109] : memref<2x50176xf32, #tpu.memory_space<hbm>> -> memref<1x50176xf32, #tpu.memory_space<hbm>>
        %dma_start3A_111 = tpu.memref_squeeze %dma_start3A_110 : memref<1x50176xf32, #tpu.memory_space<hbm>> -> memref<50176xf32, #tpu.memory_space<hbm>>
        tpu.enqueue_dma source(%arg6 : memref<50176xf32, #tpu.memory_space<vmem_shared>>) target(%dma_start3A_111 : memref<50176xf32, #tpu.memory_space<hbm>>) target_semaphore(%run_scoped3A_108 : memref<!tpu.dma_semaphore, #tpu.memory_space<semaphore_mem>>)
        %dma_wait3A = arith.constant 0 : i32
        %dma_wait3A_112 = tpu.memref_slice %arg4[%arg0, %dma_wait3A] : memref<2x50176xf32, #tpu.memory_space<hbm>> -> memref<1x50176xf32, #tpu.memory_space<hbm>>
        %dma_wait3A_113 = tpu.memref_squeeze %dma_wait3A_112 : memref<1x50176xf32, #tpu.memory_space<hbm>> -> memref<50176xf32, #tpu.memory_space<hbm>>
        tpu.wait_dma2 semaphore(%run_scoped3A_108 : memref<!tpu.dma_semaphore, #tpu.memory_space<semaphore_mem>>) src(%arg6 : memref<50176xf32, #tpu.memory_space<vmem_shared>>) dst(%dma_wait3A_113 : memref<50176xf32, #tpu.memory_space<hbm>>)
        tpu.yield
      }) : () -> ()
    } else {
    }
    return
  }
}

module attributes {stable_mosaic.version = 14 : i64} {
  func.func @_score_proj_body(%arg0: i32, %arg1: memref<10000x64xf32, #tpu.memory_space<vmem>>, %arg2: memref<2x64xf32, #tpu.memory_space<vmem>>, %arg3: memref<1x1x10000xf32, #tpu.memory_space<vmem>>, %arg4: memref<1x1x10000xf32, #tpu.memory_space<vmem>>) attributes {dimension_semantics = [#tpu.dimension_semantics<arbitrary>], iteration_bounds = array<i64: 5>, scalar_prefetch = 0 : i64, scratch_operands = 0 : i64, tpu.core_type = #tpu.core_type<tc>, window_params = [{transform_indices = @transform_0, window_bounds = array<i64: 10000, 64>}, {pipeline_mode = #tpu.pipeline_mode<synchronous>, transform_indices = @transform_1, window_bounds = array<i64: 2, 64>}, {transform_indices = @transform_2, window_bounds = array<i64: 1, 1, 10000>}, {transform_indices = @transform_3, window_bounds = array<i64: 1, 1, 10000>}]} {
    %get3A = arith.constant 0 : index
    %get3A_0 = arith.constant 0 : index
    %get3A_1 = vector.load %arg2[%get3A, %get3A_0] : memref<2x64xf32, #tpu.memory_space<vmem>>, vector<2x64xf32>
    %get3A_2 = arith.constant 0 : index
    %get3A_3 = arith.constant 0 : index
    %get3A_4 = vector.load %arg1[%get3A_2, %get3A_3] : memref<10000x64xf32, #tpu.memory_space<vmem>>, vector<10000x64xf32>
    %convert_element_type3A = arith.truncf %get3A_1 : vector<2x64xf32> to vector<2x64xbf16>
    %convert_element_type3A_5 = arith.extf %convert_element_type3A : vector<2x64xbf16> to vector<2x64xf32>
    %sub3A = arith.subf %get3A_1, %convert_element_type3A_5 : vector<2x64xf32>
    %convert_element_type3A_6 = arith.truncf %sub3A : vector<2x64xf32> to vector<2x64xbf16>
    %convert_element_type3A_7 = arith.truncf %get3A_4 : vector<10000x64xf32> to vector<10000x64xbf16>
    %convert_element_type3A_8 = arith.extf %convert_element_type3A_7 : vector<10000x64xbf16> to vector<10000x64xf32>
    %sub3A_9 = arith.subf %get3A_4, %convert_element_type3A_8 : vector<10000x64xf32>
    %convert_element_type3A_10 = arith.truncf %sub3A_9 : vector<10000x64xf32> to vector<10000x64xbf16>
    %dot_general3A = arith.constant dense<0.000000e+00> : vector<2x10000xf32>
    %dot_general3A_11 = tpu.matmul %convert_element_type3A, %convert_element_type3A_7, %dot_general3A {dimension_numbers = #tpu.dot_dimension_numbers<[1], [1], [0], [0], [0, 0, 1, 0], [], []>, transpose_lhs_hint = false} : vector<2x64xbf16>, vector<10000x64xbf16>, vector<2x10000xf32> -> vector<2x10000xf32>
    %dot_general3A_12 = arith.constant dense<0.000000e+00> : vector<2x10000xf32>
    %dot_general3A_13 = tpu.matmul %convert_element_type3A, %convert_element_type3A_10, %dot_general3A_12 {dimension_numbers = #tpu.dot_dimension_numbers<[1], [1], [0], [0], [0, 0, 1, 0], [], []>, transpose_lhs_hint = false} : vector<2x64xbf16>, vector<10000x64xbf16>, vector<2x10000xf32> -> vector<2x10000xf32>
    %dot_general3A_14 = arith.constant dense<0.000000e+00> : vector<2x10000xf32>
    %dot_general3A_15 = tpu.matmul %convert_element_type3A_6, %convert_element_type3A_7, %dot_general3A_14 {dimension_numbers = #tpu.dot_dimension_numbers<[1], [1], [0], [0], [0, 0, 1, 0], [], []>, transpose_lhs_hint = false} : vector<2x64xbf16>, vector<10000x64xbf16>, vector<2x10000xf32> -> vector<2x10000xf32>
    %add3A = arith.addf %dot_general3A_13, %dot_general3A_15 : vector<2x10000xf32>
    %add3A_16 = arith.addf %dot_general3A_11, %add3A : vector<2x10000xf32>
    %slice3A = vector.extract_strided_slice %add3A_16 {offsets = [0, 0], sizes = [1, 10000], strides = [1, 1]} : vector<2x10000xf32> to vector<1x10000xf32>
    %reshape3A = vector.shape_cast %slice3A : vector<1x10000xf32> to vector<1x1x10000xf32>
    %swap3A = arith.constant 0 : index
    %swap3A_17 = arith.constant 0 : index
    %swap3A_18 = arith.constant 0 : index
    %swap3A_19 = vector.load %arg3[%swap3A, %swap3A_17, %swap3A_18] : memref<1x1x10000xf32, #tpu.memory_space<vmem>>, vector<1x1x10000xf32>
    tpu.vector_store %arg3[%swap3A, %swap3A_17, %swap3A_18], %reshape3A {strides = array<i32>} : memref<1x1x10000xf32, #tpu.memory_space<vmem>>, vector<1x1x10000xf32>,
    %slice3A_20 = vector.extract_strided_slice %add3A_16 {offsets = [1, 0], sizes = [1, 10000], strides = [1, 1]} : vector<2x10000xf32> to vector<1x10000xf32>
    %reshape3A_21 = vector.shape_cast %slice3A_20 : vector<1x10000xf32> to vector<1x1x10000xf32>
    %swap3A_22 = arith.constant 0 : index
    %swap3A_23 = arith.constant 0 : index
    %swap3A_24 = arith.constant 0 : index
    %swap3A_25 = vector.load %arg4[%swap3A_22, %swap3A_23, %swap3A_24] : memref<1x1x10000xf32, #tpu.memory_space<vmem>>, vector<1x1x10000xf32>
    tpu.vector_store %arg4[%swap3A_22, %swap3A_23, %swap3A_24], %reshape3A_21 {strides = array<i32>} : memref<1x1x10000xf32, #tpu.memory_space<vmem>>, vector<1x1x10000xf32>,
    return
  }
  func.func @transform_0(%arg0: i32) -> (i32, i32) {
    %c0_i32 = arith.constant 0 : i32
    %c0_i32_0 = arith.constant 0 : i32
    return %arg0, %c0_i32 : i32, i32
  }
  func.func @transform_1(%arg0: i32) -> (i32, i32) {
    %c0_i32 = arith.constant 0 : i32
    %c0_i32_0 = arith.constant 0 : i32
    %c0_i32_1 = arith.constant 0 : i32
    return %c0_i32, %c0_i32_0 : i32, i32
  }
  func.func @transform_2(%arg0: i32) -> (i32, i32, i32) {
    %c0_i32 = arith.constant 0 : i32
    %c0_i32_0 = arith.constant 0 : i32
    %c0_i32_1 = arith.constant 0 : i32
    return %arg0, %c0_i32, %c0_i32_0 : i32, i32, i32
  }
  func.func @transform_3(%arg0: i32) -> (i32, i32, i32) {
    %c0_i32 = arith.constant 0 : i32
    %c0_i32_0 = arith.constant 0 : i32
    %c0_i32_1 = arith.constant 0 : i32
    return %arg0, %c0_i32, %c0_i32_0 : i32, i32, i32
  }
}

module attributes {stable_mosaic.version = 14 : i64} {
  func.func @_softmax_pool_body(%arg0: memref<10x5000xf32, #tpu.memory_space<vmem>>, %arg1: memref<10x5000xi32, #tpu.memory_space<vmem>>, %arg2: memref<50000x64xf32, #tpu.memory_space<vmem>>, %arg3: memref<64x64xf32, #tpu.memory_space<vmem>>) attributes {dimension_semantics = [], scalar_prefetch = 0 : i64, scratch_operands = 0 : i64, tpu.core_type = #tpu.core_type<tc>} {
    %iota3A = tpu.iota {dimensions = array<i32: 0>} : vector<64x5000xi32>
    %broadcast_in_dim3A = arith.constant -1.000000e+30 : f32
    %broadcast_in_dim3A_0 = vector.broadcast %broadcast_in_dim3A : f32 to vector<64x1xf32>
    %scan3A = arith.constant -1.000000e+30 : f32
    %scan3A_1 = arith.constant 0 : i32
    %scan3A_2 = arith.constant 10 : i32
    %scan3A_3 = arith.addi %scan3A_1, %scan3A_2 : i32
    %scan3A_4 = arith.constant 1 : i32
    %scan3A_5 = scf.for %scan3A_29 = %scan3A_1 to %scan3A_3 step %scan3A_4 iter_args(%scan3A_30 = %broadcast_in_dim3A_0) -> (vector<64x1xf32>)  : i32 {
      %get3A = arith.index_cast %scan3A_29 : i32 to index
      %get3A_31 = arith.constant 0 : index
      %get3A_32 = vector.load %arg1[%get3A, %get3A_31] : memref<10x5000xi32, #tpu.memory_space<vmem>>, vector<1x5000xi32>
      %eq3A = vector.broadcast %get3A_32 : vector<1x5000xi32> to vector<64x5000xi32>
      %eq3A_33 = arith.cmpi eq, %eq3A, %iota3A : vector<64x5000xi32>
      %get3A_34 = arith.index_cast %scan3A_29 : i32 to index
      %get3A_35 = arith.constant 0 : index
      %get3A_36 = vector.load %arg0[%get3A_34, %get3A_35] : memref<10x5000xf32, #tpu.memory_space<vmem>>, vector<1x5000xf32>
      %broadcast_in_dim3A_37 = vector.shape_cast %get3A_36 : vector<1x5000xf32> to vector<1x5000xf32>
      %broadcast_in_dim3A_38 = vector.broadcast %broadcast_in_dim3A_37 : vector<1x5000xf32> to vector<64x5000xf32>
      %broadcast_in_dim3A_39 = vector.broadcast %scan3A : f32 to vector<64x5000xf32>
      %select_n3A = arith.select %eq3A_33, %broadcast_in_dim3A_38, %broadcast_in_dim3A_39 : vector<64x5000xi1>, vector<64x5000xf32>
      %reduce_max3A = arith.constant dense<0xFF800000> : vector<64xf32>
      %reduce_max3A_40 = vector.multi_reduction <maximumf>, %select_n3A, %reduce_max3A [1] : vector<64x5000xf32> to vector<64xf32>
      %broadcast_in_dim3A_41 = vector.shape_cast %reduce_max3A_40 : vector<64xf32> to vector<64x1xf32>
      %max3A = arith.maximumf %scan3A_30, %broadcast_in_dim3A_41 : vector<64x1xf32>
      scf.yield %max3A : vector<64x1xf32>
    }
    %scan3A_6 = arith.constant 10 : i32
    %broadcast_in_dim3A_7 = arith.constant 0.000000e+00 : f32
    %broadcast_in_dim3A_8 = vector.broadcast %broadcast_in_dim3A_7 : f32 to vector<64x1xf32>
    %scan3A_9 = arith.constant 0 : i32
    %scan3A_10 = arith.constant 10 : i32
    %scan3A_11 = arith.addi %scan3A_9, %scan3A_10 : i32
    %scan3A_12 = arith.constant 1 : i32
    %scan3A_13 = scf.for %scan3A_29 = %scan3A_9 to %scan3A_11 step %scan3A_12 iter_args(%scan3A_30 = %broadcast_in_dim3A_8) -> (vector<64x1xf32>)  : i32 {
      %get3A = arith.index_cast %scan3A_29 : i32 to index
      %get3A_31 = arith.constant 0 : index
      %get3A_32 = vector.load %arg1[%get3A, %get3A_31] : memref<10x5000xi32, #tpu.memory_space<vmem>>, vector<1x5000xi32>
      %eq3A = vector.broadcast %get3A_32 : vector<1x5000xi32> to vector<64x5000xi32>
      %eq3A_33 = arith.cmpi eq, %eq3A, %iota3A : vector<64x5000xi32>
      %jit3A = arith.constant 0.000000e+00 : f32
      %broadcast_in_dim3A_34 = vector.shape_cast %scan3A_5 : vector<64x1xf32> to vector<64x1xf32>
      %broadcast_in_dim3A_35 = vector.broadcast %broadcast_in_dim3A_34 : vector<64x1xf32> to vector<64x5000xf32>
      %broadcast_in_dim3A_36 = vector.broadcast %jit3A : f32 to vector<64x5000xf32>
      %select_n3A = arith.select %eq3A_33, %broadcast_in_dim3A_35, %broadcast_in_dim3A_36 : vector<64x5000xi1>, vector<64x5000xf32>
      %reduce_sum3A = arith.constant dense<0.000000e+00> : vector<5000xf32>
      %reduce_sum3A_37 = vector.multi_reduction <add>, %select_n3A, %reduce_sum3A [0] : vector<64x5000xf32> to vector<5000xf32>
      %broadcast_in_dim3A_38 = vector.shape_cast %reduce_sum3A_37 : vector<5000xf32> to vector<1x5000xf32>
      %get3A_39 = arith.index_cast %scan3A_29 : i32 to index
      %get3A_40 = arith.constant 0 : index
      %get3A_41 = vector.load %arg0[%get3A_39, %get3A_40] : memref<10x5000xf32, #tpu.memory_space<vmem>>, vector<1x5000xf32>
      %sub3A = arith.subf %get3A_41, %broadcast_in_dim3A_38 : vector<1x5000xf32>
      %exp3A = math.exp %sub3A : vector<1x5000xf32>
      %jit3A_42 = arith.constant 0.000000e+00 : f32
      %broadcast_in_dim3A_43 = vector.shape_cast %exp3A : vector<1x5000xf32> to vector<1x5000xf32>
      %broadcast_in_dim3A_44 = vector.broadcast %broadcast_in_dim3A_43 : vector<1x5000xf32> to vector<64x5000xf32>
      %broadcast_in_dim3A_45 = vector.broadcast %jit3A_42 : f32 to vector<64x5000xf32>
      %select_n3A_46 = arith.select %eq3A_33, %broadcast_in_dim3A_44, %broadcast_in_dim3A_45 : vector<64x5000xi1>, vector<64x5000xf32>
      %reduce_sum3A_47 = arith.constant dense<0.000000e+00> : vector<64xf32>
      %reduce_sum3A_48 = vector.multi_reduction <add>, %select_n3A_46, %reduce_sum3A_47 [1] : vector<64x5000xf32> to vector<64xf32>
      %broadcast_in_dim3A_49 = vector.shape_cast %reduce_sum3A_48 : vector<64xf32> to vector<64x1xf32>
      %add3A_50 = arith.addf %scan3A_30, %broadcast_in_dim3A_49 : vector<64x1xf32>
      scf.yield %add3A_50 : vector<64x1xf32>
    }
    %scan3A_14 = arith.constant 10 : i32
    %add3A = arith.constant 1.000000e-16 : f32
    %add3A_15 = vector.broadcast %add3A : f32 to vector<64x1xf32>
    %add3A_16 = arith.addf %scan3A_13, %add3A_15 : vector<64x1xf32>
    %div3A = arith.constant 1.000000e+00 : f32
    %div3A_17 = vector.broadcast %div3A : f32 to vector<64x1xf32>
    %div3A_18 = arith.divf %div3A_17, %add3A_16 : vector<64x1xf32>
    %broadcast_in_dim3A_19 = arith.constant 0.000000e+00 : f32
    %broadcast_in_dim3A_20 = vector.broadcast %broadcast_in_dim3A_19 : f32 to vector<64x64xf32>
    %scan3A_21 = arith.constant 0 : i32
    %scan3A_22 = arith.constant 10 : i32
    %scan3A_23 = arith.addi %scan3A_21, %scan3A_22 : i32
    %scan3A_24 = arith.constant 1 : i32
    %scan3A_25 = scf.for %scan3A_29 = %scan3A_21 to %scan3A_23 step %scan3A_24 iter_args(%scan3A_30 = %broadcast_in_dim3A_20) -> (vector<64x64xf32>)  : i32 {
      %get3A = arith.index_cast %scan3A_29 : i32 to index
      %get3A_31 = arith.constant 0 : index
      %get3A_32 = vector.load %arg1[%get3A, %get3A_31] : memref<10x5000xi32, #tpu.memory_space<vmem>>, vector<1x5000xi32>
      %eq3A = vector.broadcast %get3A_32 : vector<1x5000xi32> to vector<64x5000xi32>
      %eq3A_33 = arith.cmpi eq, %eq3A, %iota3A : vector<64x5000xi32>
      %jit3A = arith.constant 0.000000e+00 : f32
      %broadcast_in_dim3A_34 = vector.shape_cast %scan3A_5 : vector<64x1xf32> to vector<64x1xf32>
      %broadcast_in_dim3A_35 = vector.broadcast %broadcast_in_dim3A_34 : vector<64x1xf32> to vector<64x5000xf32>
      %broadcast_in_dim3A_36 = vector.broadcast %jit3A : f32 to vector<64x5000xf32>
      %select_n3A = arith.select %eq3A_33, %broadcast_in_dim3A_35, %broadcast_in_dim3A_36 : vector<64x5000xi1>, vector<64x5000xf32>
      %reduce_sum3A = arith.constant dense<0.000000e+00> : vector<5000xf32>
      %reduce_sum3A_37 = vector.multi_reduction <add>, %select_n3A, %reduce_sum3A [0] : vector<64x5000xf32> to vector<5000xf32>
      %broadcast_in_dim3A_38 = vector.shape_cast %reduce_sum3A_37 : vector<5000xf32> to vector<1x5000xf32>
      %get3A_39 = arith.index_cast %scan3A_29 : i32 to index
      %get3A_40 = arith.constant 0 : index
      %get3A_41 = vector.load %arg0[%get3A_39, %get3A_40] : memref<10x5000xf32, #tpu.memory_space<vmem>>, vector<1x5000xf32>
      %sub3A = arith.subf %get3A_41, %broadcast_in_dim3A_38 : vector<1x5000xf32>
      %exp3A = math.exp %sub3A : vector<1x5000xf32>
      %mul3A = vector.broadcast %exp3A : vector<1x5000xf32> to vector<64x5000xf32>
      %mul3A_42 = vector.broadcast %div3A_18 : vector<64x1xf32> to vector<64x5000xf32>
      %mul3A_43 = arith.mulf %mul3A, %mul3A_42 : vector<64x5000xf32>
      %jit3A_44 = arith.constant 0.000000e+00 : f32
      %broadcast_in_dim3A_45 = vector.broadcast %jit3A_44 : f32 to vector<64x5000xf32>
      %select_n3A_46 = arith.select %eq3A_33, %mul3A_43, %broadcast_in_dim3A_45 : vector<64x5000xi1>, vector<64x5000xf32>
      %mul3A_47 = arith.constant 5000 : i32
      %mul3A_48 = arith.muli %scan3A_29, %mul3A_47 : i32
      %get3A_49 = arith.index_cast %mul3A_48 : i32 to index
      %get3A_50 = arith.constant 0 : index
      %get3A_51 = vector.load %arg2[%get3A_49, %get3A_50] : memref<50000x64xf32, #tpu.memory_space<vmem>>, vector<5000x64xf32>
      %convert_element_type3A = arith.truncf %select_n3A_46 : vector<64x5000xf32> to vector<64x5000xbf16>
      %convert_element_type3A_52 = arith.extf %convert_element_type3A : vector<64x5000xbf16> to vector<64x5000xf32>
      %sub3A_53 = arith.subf %select_n3A_46, %convert_element_type3A_52 : vector<64x5000xf32>
      %convert_element_type3A_54 = arith.truncf %sub3A_53 : vector<64x5000xf32> to vector<64x5000xbf16>
      %convert_element_type3A_55 = arith.truncf %get3A_51 : vector<5000x64xf32> to vector<5000x64xbf16>
      %convert_element_type3A_56 = arith.extf %convert_element_type3A_55 : vector<5000x64xbf16> to vector<5000x64xf32>
      %sub3A_57 = arith.subf %get3A_51, %convert_element_type3A_56 : vector<5000x64xf32>
      %convert_element_type3A_58 = arith.truncf %sub3A_57 : vector<5000x64xf32> to vector<5000x64xbf16>
      %dot_general3A = arith.constant dense<0.000000e+00> : vector<64x64xf32>
      %dot_general3A_59 = tpu.matmul %convert_element_type3A, %convert_element_type3A_55, %dot_general3A {dimension_numbers = #tpu.dot_dimension_numbers<[1], [0], [0], [1], [0, 0, 1, 1], [], []>, transpose_lhs_hint = false} : vector<64x5000xbf16>, vector<5000x64xbf16>, vector<64x64xf32> -> vector<64x64xf32>
      %dot_general3A_60 = arith.constant dense<0.000000e+00> : vector<64x64xf32>
      %dot_general3A_61 = tpu.matmul %convert_element_type3A, %convert_element_type3A_58, %dot_general3A_60 {dimension_numbers = #tpu.dot_dimension_numbers<[1], [0], [0], [1], [0, 0, 1, 1], [], []>, transpose_lhs_hint = false} : vector<64x5000xbf16>, vector<5000x64xbf16>, vector<64x64xf32> -> vector<64x64xf32>
      %dot_general3A_62 = arith.constant dense<0.000000e+00> : vector<64x64xf32>
      %dot_general3A_63 = tpu.matmul %convert_element_type3A_54, %convert_element_type3A_55, %dot_general3A_62 {dimension_numbers = #tpu.dot_dimension_numbers<[1], [0], [0], [1], [0, 0, 1, 1], [], []>, transpose_lhs_hint = false} : vector<64x5000xbf16>, vector<5000x64xbf16>, vector<64x64xf32> -> vector<64x64xf32>
      %add3A_64 = arith.addf %dot_general3A_61, %dot_general3A_63 : vector<64x64xf32>
      %add3A_65 = arith.addf %dot_general3A_59, %add3A_64 : vector<64x64xf32>
      %add3A_66 = arith.addf %scan3A_30, %add3A_65 : vector<64x64xf32>
      scf.yield %add3A_66 : vector<64x64xf32>
    }
    %scan3A_26 = arith.constant 10 : i32
    %swap3A = arith.constant 0 : index
    %swap3A_27 = arith.constant 0 : index
    %swap3A_28 = vector.load %arg3[%swap3A, %swap3A_27] : memref<64x64xf32, #tpu.memory_space<vmem>>, vector<64x64xf32>
    tpu.vector_store %arg3[%swap3A, %swap3A_27], %scan3A_25 {strides = array<i32>} : memref<64x64xf32, #tpu.memory_space<vmem>>, vector<64x64xf32>,
    return
  }
}

</mosaic_0001>

<sc_bundles>
// kernel: kernel.5.cloned.1.call-start
scs
__scs_entry_jumppad:
0x0: {  	(pc) =	sbr.rel $0x88, $3  }
0x1: {  	(tag) =	ssettag $0x0;
	lr =	simm.s32 $0x1  }
0x2: {  	[smem:$0x3F9B] =	sst lr;
	_ =	strace $0xD0000000  }
0x3: {  	_ = 	snop  }
0x4: {  	_ = 	snop  }
0x5: {  	_ = 	snop  }
0x6: {  	_ = 	snop  }
0x7: {  	_ = 	snop  }
__scs_overlays_trampoline_lowered:
0x8: {  	[smem:$0x3FAA] =	sst s0  }
0x9: {  	[smem:$0x3FAB] =	sst s1  }
0xa: {  	[smem:$0x3FAC] =	sst s2  }
0xb: {  	[smem:$0x3FAD] =	sst s3  }
0xc: {  	[smem:$0x3FAE] =	sst s4  }
0xd: {  	[smem:$0x3FAF] =	sst s5  }
0xe: {  	[smem:$0x3FB0] =	sst s6  }
0xf: {  	[smem:$0x3FB1] =	sst s7  }
0x10: {  	[smem:$0x3FB2] =	sst s8  }
0x11: {  	[smem:$0x3FB3] =	sst s9;
	s0 =	simm.s32 @!p0 $0x0  }
0x12: {  	s1 =	sld [smem:$0x3F99];
	s0 =	simm.s32 @p0 $0x1  }
0x13: {  	[smem:$0x3FB4] =	sst s0;
	s0 =	simm.s32 @!p1 $0x0  }
0x14: {  	s2 =	sld [smem:$0x3F98];
	s0 =	simm.s32 @p1 $0x1  }
0x15: {  	[smem:$0x3FB5] =	sst s0;
	s0 =	simm.s32 @!p2 $0x0  }
0x16: {  	s3 =	sld [smem:$0x3FDB];
	s0 =	simm.s32 @p2 $0x1  }
0x17: {  	s4 =	simm.s32 $0x1BF5;
	[smem:$0x3FB7] =	sst s0  }
0x18: {  	s0 =	sld [smem:$0x3F9A];
	_ =	swait.ge [sflag:s4], $0x0  }
0x19: {  	s7 =	sld [smem:$0x3F9B]  }
0x1a: {  	s8 =	sadd.s32 $0xFFFFE003, lr  }
0x1b: {  	s9 =	sadd.s32 $0xFFFFFEF7, lr;
	s5 =	simm.s32 $0xFFFFFFFF;
	p2 =	slt.u32 s8, $0xFFFFF086  }
0x1c: {  	p1 =	slt.u32 s9, $0xF7A;
	s5 =	simm.s32 @!p2 $0x0  }
0x1d: {  	s5 =	simm.s32 @p1 $0x1;
	p0 =	seq.s32 s7, s2  }
0x1e: {  	s7 =	smul.u32 @!p0 $0xF7A, s2;
	p2 =	seq.s32 @!p0 s5, $0x0  }
0x1f: {  	s9 =	smul.u32 $0xF7A, s1;
	s8 =	simm.s32 @!p0 $0x1BF5;
	p2 =	por !p2, p0  }
0x20: {  	[sflag:s8] =	ssyncset.s32 @!p0 $0xFFFFF086;
	s6 =	sadd.s32 @!p0 s3, s7;
	s7 =	simm.s32 @!p0 $0x108  }
0x21: {  	s3 =	sadd.s32 s3, s9;
	s6 =	sadd.s32 @!p0 $0x88, s6;
	s7 =	simm.s32 @p2 $0x1082  }
0x22: {  	[simem:s7], [sflag:s8] =	dma.local @!p0 [hbm:s6], $0xF7A  }
0x23: {  	s9 =	sor.u32 $0xD0000000, s2;
	s6 =	simm.s32 $0x108;
	_ =	swait.ge @!p0 [sflag:s8], $0x0  }
0x24: {  	s3 =	sadd.s32 $0x88, s3;
	s6 =	simm.s32 @!p1 $0x1082;
	[sflag:s4] =	ssyncset.s32 $0xFFFFF086  }
0x25: {  	[simem:s6], [sflag:s4] =	dma.local [hbm:s3], $0xF7A  }
0x26: {  	[smem:$0x3F9B] =	sst s1;
	(tag) =	ssettag s2;
	_ =	strace s9  }
0x27: {  	s1 =	sld [smem:$0x3FAB]  }
0x28: {  	s2 =	sld [smem:$0x3FAC]  }
0x29: {  	s4 =	sld [smem:$0x3FAE]  }
0x2a: {  	p0 =	seq.s32 s5, $0x0;
	s5 =	sld [smem:$0x3FAF]  }
0x2b: {  	s6 =	sld [smem:$0x3FB0]  }
0x2c: {  	s7 =	sld [smem:$0x3FB1]  }
0x2d: {  	s3 =	simm.s32 $0x108;
	s8 =	sld [smem:$0x3FB2]  }
0x2e: {  	s3 =	simm.s32 @!p0 $0x1082;
	s9 =	sld [smem:$0x3FB3]  }
0x2f: {  	lr =	sadd.s32 s0, s3;
	s0 =	sld [smem:$0x3FAA]  }
0x30: {  	s3 =	sld [smem:$0x3FAD]  }
0x31: {  	[smem:$0x3FB6] =	sst s10  }
0x32: {  	s10 =	sld [smem:$0x3FB4];
	_ =	sdelay $0x3  }
0x33: {  	p0 =	seq.s32 s10, $0x1;
	s10 =	sld [smem:$0x3FB6];
	_ =	sdelay $0x3  }
0x34: {  	[smem:$0x3FB6] =	sst s10  }
0x35: {  	s10 =	sld [smem:$0x3FB5];
	_ =	sdelay $0x3  }
0x36: {  	p1 =	seq.s32 s10, $0x1;
	s10 =	sld [smem:$0x3FB6];
	_ =	sdelay $0x3  }
0x37: {  	[smem:$0x3FB6] =	sst s10  }
0x38: {  	s10 =	sld [smem:$0x3FB7]  }
0x39: {  	_ = 	snop;
	(pc) =	sbr.ind lr, $3  }
0x3a: {  	_ = 	snop  }
0x3b: {  	_ = 	snop  }
0x3c: {  	p2 =	seq.s32 s10, $0x1;
	s10 =	sld [smem:$0x3FB6]  }
0x3d: {  	_ =	shalt  }
0x3e: {  	_ =	shalt  }
0x3f: {  	_ =	shalt  }
0x40: {  	_ =	shalt  }
0x41: {  	_ =	shalt  }
0x42: {  	_ =	shalt  }
0x43: {  	_ =	shalt  }
0x44: {  	_ =	shalt  }
0x45: {  	_ =	shalt  }
0x46: {  	_ =	shalt  }
0x47: {  	_ =	shalt  }
0x48: {  	_ =	shalt  }
0x49: {  	_ =	shalt  }
0x4a: {  	_ =	shalt  }
0x4b: {  	_ =	shalt  }
0x4c: {  	_ =	shalt  }
0x4d: {  	_ =	shalt  }
0x4e: {  	_ =	shalt  }
0x4f: {  	_ =	shalt  }
0x50: {  	_ =	shalt  }
0x51: {  	_ =	shalt  }
0x52: {  	_ =	shalt  }
0x53: {  	_ =	shalt  }
0x54: {  	_ =	shalt  }
0x55: {  	_ =	shalt  }
0x56: {  	_ =	shalt  }
0x57: {  	_ =	shalt  }
0x58: {  	_ =	shalt  }
0x59: {  	_ =	shalt  }
0x5a: {  	_ =	shalt  }
0x5b: {  	_ =	shalt  }
0x5c: {  	_ =	shalt  }
0x5d: {  	_ =	shalt  }
0x5e: {  	_ =	shalt  }
0x5f: {  	_ =	shalt  }
0x60: {  	_ =	shalt  }
0x61: {  	_ =	shalt  }
0x62: {  	_ =	shalt  }
0x63: {  	_ =	shalt  }
0x64: {  	_ =	shalt  }
0x65: {  	_ =	shalt  }
0x66: {  	_ =	shalt  }
0x67: {  	_ =	shalt  }
0x68: {  	_ =	shalt  }
0x69: {  	_ =	shalt  }
0x6a: {  	_ =	shalt  }
0x6b: {  	_ =	shalt  }
0x6c: {  	_ =	shalt  }
0x6d: {  	_ =	shalt  }
0x6e: {  	_ =	shalt  }
0x6f: {  	_ =	shalt  }
0x70: {  	_ =	shalt  }
0x71: {  	_ =	shalt  }
0x72: {  	_ =	shalt  }
0x73: {  	_ =	shalt  }
0x74: {  	_ =	shalt  }
0x75: {  	_ =	shalt  }
0x76: {  	_ =	shalt  }
0x77: {  	_ =	shalt  }
0x78: {  	_ =	shalt  }
0x79: {  	_ =	shalt  }
0x7a: {  	_ =	shalt  }
0x7b: {  	_ =	shalt  }
0x7c: {  	_ =	shalt  }
0x7d: {  	_ =	shalt  }
0x7e: {  	_ =	shalt  }
0x7f: {  	_ =	shalt  }
0x80: {  	_ =	shalt  }
0x81: {  	_ =	shalt  }
0x82: {  	_ =	shalt  }
0x83: {  	_ =	shalt  }
0x84: {  	_ =	shalt  }
0x85: {  	_ =	shalt  }
0x86: {  	_ =	shalt  }
0x87: {  	_ =	shalt  }
.Lfunc_end0:
.L_simem_size_0:
called_computation_lowered:
.L_overlay_start_0:
0x88: {  	s2 =	sld [smem:$0x3FD9]  }
0x89: {  	s3 =	sld [smem:$0x3FFE];
	_ =	sdelay $0x1  }
0x8a: {  	s1 =	srdreg.scid  }
0x8b: {  	s0 =	sand.u32 $0x1, s1  }
0x8c: {  	s16 =	sshll.u32 s0, $0xA;
	s2 =	sadd.s32 s3, s2  }
0x8d: {  	s2 =	sadd.s32 s2, s16  }
0x8e: {  	[smem:$0x3FC2] =	sst s2  }
0x8f: {  	_ = 	snop  }
0x90: {  	(tm) =	ssettm $0x1  }
0x91: {  	s17 =	sld [smem:$0x3FFB];
	_ =	sdelay $0x3  }
0x92: {  	_ =	strace s17  }
0x93: {  	s2 =	sld [smem:$0x3FFC];
	_ =	sdelay $0x3  }
0x94: {  	_ =	strace s2  }
0x95: {  	s2 =	sld [smem:$0x3FFD];
	_ =	sdelay $0x3  }
0x96: {  	_ =	strace s2  }
0x97: {  	_ =	strace $0x8FFFFFFF  }
0x98: {  	s18 =	sld [smem:$0x3FDB];
	_ =	sdelay $0x1  }
0x99: {  	s19 =	simm.s32 $_scs_section_size  }
0x9a: {  	s4 =	simm.s32 $_size__tile_overlayer_lowered;
	s5 =	simm.s32 $_tile_overlayer_lowered  }
0x9b: {  	s22 =	simm.s32 $0x1BFF;
	s21 =	sshll.u32 s5, $0x1;
	s2 =	sadd.s32 s19, s18  }
0x9c: {  	s6 =	simm.s32 $0x0;
	s20 =	sshll.u32 s4, $0x1;
	s4 =	sadd.s32 s21, s2  }
0x9d: {  	[timem:s6], [sflag:s22] =	dma.local [hbm:s4], s20  }
0x9e: {  	_ =	swait.ge [sflag:s22], s20  }
0x9f: {  	s3 =	ssub.s32 $0x0, s20;
	[sflag:s22] =	ssyncset.done $0x0  }
0xa0: {  	[sflag:s22] =	ssyncadd.s32 s3;
	_ =	sdelay $0x1  }
0xa1: {  	s23 =	simm.s32 $0x1B8B  }
0xa2: {  	_ =	swait.ge [sflag:s23], $0x1  }
0xa3: {  	[sflag:s23] =	ssyncset.done $0x0  }
0xa4: {  	s25 =	simm.s32 $0x1B8E;
	s24 =	sld [smem:$0x3FFE];
	[sflag:s23] =	ssyncadd.s32 $0xFFFFFFFF  }
0xa5: {  	s26 =	simm.s32 $execute0_lowered;
	[smem:$0x3FD2] =	sst s25  }
0xa6: {  	s4 =	sshll.u32 s26, $0x1;
	_ =	strace $0x80000046;
	[dreg:$0x1] =	wrdreg $0xFFFFFFFF  }
0xa7: {  	s28 =	simm.s32 $_size_execute0_lowered;
	s2 =	sadd.s32 s2, s4;
	[dreg:$0x0] =	wrdreg $0x0  }
0xa8: {  	s4 =	sshll.u32 s28, $0x1;
	[dreg:$0x2] =	wrdreg s2  }
0xa9: {  	[dreg:$0x3] =	wrdreg s4  }
0xaa: {  	[dreg:$0x4] =	wrdreg $0xC0  }
0xab: {  	_ =	task [dreg:s6], $0x5FFFF  }
0xac: {  	[dreg:$0x1] =	wrdreg $0xFFFFFFFF  }
0xad: {  	[dreg:$0x0] =	wrdreg $0x60  }
0xae: {  	[dreg:$0x2] =	wrdreg s24  }
0xaf: {  	[dreg:$0x3] =	wrdreg $0xC380  }
0xb0: {  	[dreg:$0x4] =	wrdreg $0x0  }
0xb1: {  	[dreg:$0x5] =	wrdreg $0x9  }
0xb2: {  	_ =	task.clear_ibuf [dreg:s6], $0x6FFFF;
	_ =	strace $0x90000046  }
0xb3: {  	s29 =	simm.s32 $0x9;
	_ =	strace $0x80000048  }
0xb4: {  	_ =	swait.ge [sflag:s29], $0x1  }
0xb5: {  	[sflag:s29] =	ssyncadd.s32 $0xFFFFFFFF  }
0xb6: {  	_ =	strace $0x90000048  }
0xb7: {  	_ =	sfence  }
0xb8: {  	s30 =	sld [smem:$0x0];
	_ =	sdelay $0x2  }
0xb9: {  	s31 =	sshll.u32 s1, $0xD;
	s1 =	sshrl.u32 s1, $0x2  }
0xba: {  	s3 =	sand.u32 $0x4000, s31;
	s1 =	sadd.s32 s1, s30  }
0xbb: {  	s0 =	sor.u32 s3, s0;
	s1 =	sshll.u32 s1, $0x11  }
0xbc: {  	s0 =	sor.u32 s1, s0  }
0xbd: {  	s0 =	sadd.s32 $0x8F2B, s0  }
0xbe: {  	[sflag:s0] =	ssyncadd.remote.s32 $0x1  }
0xbf: {  	_ =	sfence.sel $0xFFFF  }
0xc0: {  	[dreg:$0x0] =	wrdreg $0xFFFFFFFF;
	(pc) =	sbr.abs _section_cstart, $3  }
0xc1: {  	[dreg:$0x1] =	wrdreg $0xFFFFFFFF  }
0xc2: {  	_ =	task.clear_ibuf [dreg:s6], $0x2FFFF;
	_ =	strace $0x9FFFFFFF  }
0xc3: {  	(tm) =	ssettm $0x7FFFFFFF  }
tec
execute0_lowered:
.L_overlay_start_1:
0x0: {  	(tag) =	ssettag $0x1  }
0x1: {  	s0 =	rddreg [dreg:$0x0]  }
0x2: {  	s1 =	rddreg [dreg:$0x1]  }
0x3: {  	s2 =	rddreg [dreg:$0x2]  }
0x4: {  	s3 =	srdreg.scid;
	s10 =	stileid.u32;
	s13 =	simm.s32 $0x1878  }
0x5: {  	s14 =	simm.s32 $0x80;
	s23 =	simm.s32 $0xE278;
	s24 =	simm.s32 $0x1AF8  }
0x6: {  	s28 =	simm.s32 $0xE378;
	s29 =	simm.s32 $0x1BF8;
	s30 =	simm.s32 $0xE3F8  }
0x7: {  	s31 =	simm.s32 $0x1;
	s5 =	sand.u32 $0x1, s3;
	s3 =	simm.s32 $0x0  }
0x8: {  	s8 =	smul.u32 $0x3100, s10;
	p0 =	sne.s32 s10, $0x0;
	s6 =	sshll.u32 s5, $0x4  }
0x9: {  	[smem:$0x7FF] =	sst s3;
	s5 =	ssub.s32 $0x2, s5;
	s12 =	sshrl.u32 @!p0 s2, $0x3  }
0xa: {  	s4 =	sor.u32 s10, s6;
	_ =	strace $0x80000047;
	s9 =	sadd.s32 s6, s0  }
0xb: {  	s25 =	sshrl.u32 s5, $0x1;
	s26 =	sshrl.u32 s8, $0x2;
	s7 =	smul.u32 $0x6400, s4  }
0xc: {  	s4 =	sadd.s32 $0xF5600, s0;
	s11 =	ssub.s32 s5, s25;
	s6 =	sadd.s32 s26, s1  }
0xd: {  	s8 =	sadd.s32 $0xF7000, s9;
	s25 =	simm.s32 $0xE2F8;
	s7 =	sshrl.u32 s7, $0x3  }
0xe: {  	s26 =	simm.s32 $0x1B78;
	s9 =	smax.u32 s11, $0x1;
	s5 =	sadd.s32 s0, s7  }
0xf: {  	v0 =	vimm.f32 $0.0e+00;
	s11 =	simm.s32 $0x3;
	s0 =	simm.s32 $0x2;
	s7 =	sadd.s32 $0x19000, s5  }
.LBB2_1:
0x10: {  	s10 =	simm.s32 $0x40;
	s15 =	simm.s32 $0x0  }
.LBB2_2:
0x11: {  	p1 =	sne.s32 s10, $0x30C0;
	[tilespmem:s15+$0x14478] =	vst v0;
	s15 =	smov.u32 s10;
	s10 =	sadd.s32 $0x40, s10  }
.Ltmp0:
0x12: {  	(pc) =	sbr.rel @p1 .LBB2_2-.Ltmp0, $2  }
0x13: {  	_ =	sdelay $0x2  }
0x14: {  	s15 =	sshra.s32 s15, $0x2  }
0x15: {  	[tilespmem:s15+$0x14478] =	vst v0;
	s10 =	simm.s32 $0x14478  }
0x16: {  	[spmem:s6] =	stream.linear.scatter [tilespmem:s10], [sflag:$0x3], $0xC40, $0x38;
	[tilespmem:$0x150F8] =	vst v63  }
0x17: {  	_ =	swait.ge [sflag:s11], $0xC40  }
0x18: {  	[sflag:s11] =	ssyncset.done $0x0  }
0x19: {  	s10 =	simm.s32 @!p0 $0x1C03;
	[sflag:s11] =	ssyncadd.s32 $0xFFFFF3C0  }
0x1a: {  	[spmem:s12], [sflag:s10] =	dma.local @!p0 [hbm:s4], $0x1870  }
0x1b: {  	s10 =	simm.s32 @!p0 $0x3  }
0x1c: {  	_ =	swait.ge @!p0 [sflag:s10], $0x1870  }
0x1d: {  	[sflag:s10] =	ssyncset.done @!p0 $0x0  }
0x1e: {  	[sflag:s10] =	ssyncadd.s32 @!p0 $0xFFFFE790  }
0x1f: {  	s22 =	simm.s32 $0x0;
	[bflag:$0x0] =	sbarrier.arrive $0xFFFF  }
0x20: {  	[tilespmem:s13], [sflag:$0x3] =	stream.linear.gather [hbm4b:s5+s22], $0x6200, $0x38;
	[tilespmem:$0x150F8] =	vst v63  }
0x21: {  	_ =	swait.ge [sflag:s11], $0x6200  }
0x22: {  	[sflag:s11] =	ssyncset.done $0x0  }
0x23: {  	s15 =	simm.s32 $0x7C78;
	[sflag:s11] =	ssyncadd.s32 $0xFFFF9E00  }
0x24: {  	[tilespmem:s15], [sflag:$0x3] =	stream.linear.gather [hbm4b:s7+s22], $0x6200, $0x38;
	[tilespmem:$0x150F8] =	vst v63  }
0x25: {  	_ =	swait.ge [sflag:s11], $0x6200  }
0x26: {  	[sflag:s11] =	ssyncset.done $0x0  }
0x27: {  	s16 =	simm.s32 $0xE078;
	[sflag:s11] =	ssyncadd.s32 $0xFFFF9E00  }
0x28: {  	[tilespmem:s16], [sflag:$0x1] =	stream.indirect.gather [spmem:s2], $0x1, s13, s14, $0xb8;
	[tilespmem:$0x150F8] =	vst v63  }
0x29: {  	s17 =	simm.s32 $0x18F8;
	s16 =	simm.s32 $0xE0F8  }
0x2a: {  	[tilespmem:s16], [sflag:$0x1] =	stream.indirect.gather [spmem:s2], $0x1, s17, s14, $0xb8;
	[tilespmem:$0x150F8] =	vst v63  }
0x2b: {  	s18 =	simm.s32 $0x1978;
	s19 =	simm.s32 $0xE178  }
0x2c: {  	[tilespmem:s19], [sflag:$0x1] =	stream.indirect.gather [spmem:s2], $0x1, s18, s14, $0xb8;
	[tilespmem:$0x150F8] =	vst v63  }
0x2d: {  	s20 =	simm.s32 $0x19F8;
	s21 =	simm.s32 $0xE1F8  }
0x2e: {  	[tilespmem:s21], [sflag:$0x1] =	stream.indirect.gather [spmem:s2], $0x1, s20, s14, $0xb8;
	[tilespmem:$0x150F8] =	vst v63  }
0x2f: {  	s22 =	simm.s32 $0x1A78  }
0x30: {  	[tilespmem:s23], [sflag:$0x1] =	stream.indirect.gather [spmem:s2], $0x1, s22, s14, $0xb8;
	[tilespmem:$0x150F8] =	vst v63  }
0x31: {  	_ = 	snop  }
0x32: {  	[tilespmem:s25], [sflag:$0x1] =	stream.indirect.gather [spmem:s2], $0x1, s24, s14, $0xb8;
	[tilespmem:$0x150F8] =	vst v63  }
0x33: {  	_ = 	snop  }
0x34: {  	[tilespmem:s28], [sflag:$0x1] =	stream.indirect.gather [spmem:s2], $0x1, s26, s14, $0xb8;
	[tilespmem:$0x150F8] =	vst v63  }
0x35: {  	_ = 	snop  }
0x36: {  	[tilespmem:s30], [sflag:$0x1] =	stream.indirect.gather [spmem:s2], $0x1, s29, s14, $0xb8;
	[tilespmem:$0x150F8] =	vst v63  }
0x37: {  	p1 =	por $0x0, $0x0;
	s10 =	simm.s32 $0x1C78;
	_ =	swait.ge [sflag:s31], $0x80  }
0x38: {  	s16 =	simm.s32 $0xE478;
	s17 =	simm.s32 $0xE078;
	[sflag:s31] =	ssyncset.done $0x0  }
0x39: {  	s18 =	simm.s32 $0x1CF8;
	s19 =	simm.s32 $0xE4F8;
	[sflag:s31] =	ssyncadd.s32 $0xFFFFFF80  }
0x3a: {  	[spmem:s1] =	stream.indirect.scatter.add.f32 [tilespmem:s17], [sflag:$0x2], $0x1, s15, s14, $0xb8;
	[tilespmem:$0x150F8] =	vst v63  }
0x3b: {  	s20 =	simm.s32 @!p1 $0x80;
	s15 =	simm.s32 $0x1;
	s17 =	simm.s32 $0x7CF8  }
.LBB2_4:
0x3c: {  	[tilespmem:s16], [sflag:$0x1] =	stream.indirect.gather @!p1 [spmem:s2], $0x1, s10, s20, $0xb8;
	[tilespmem:$0x150F8] =	vst v63  }
0x3d: {  	s20 =	smov.u32 s15  }
0x3e: {  	s21 =	smov.u32 s17;
	s10 =	smov.u32 s18;
	s15 =	sadd.s32 $0x1, s15  }
0x3f: {  	s16 =	smov.u32 s19;
	p2 =	sne.s32 s15, $0xC4  }
.Ltmp1:
0x40: {  	_ =	swait.ge [sflag:s31], $0x80;
	(pc) =	sbr.rel @p2 .LBB2_4-.Ltmp1, $4  }
0x41: {  	s17 =	sadd.s32 $0x80, s17;
	[sflag:s31] =	ssyncset.done $0x0  }
0x42: {  	s22 =	sadd.s32 $0xFFFFFC00, s19;
	p1 =	sgt.u32 s20, $0xBB;
	[sflag:s31] =	ssyncadd.s32 $0xFFFFFF80  }
0x43: {  	[spmem:s1] =	stream.indirect.scatter.add.f32 [tilespmem:s22], [sflag:$0x2], $0x1, s21, s14, $0xb8;
	[tilespmem:$0x150F8] =	vst v63  }
0x44: {  	s18 =	sadd.s32 $0x80, s18;
	s19 =	sadd.s32 $0x80, s19;
	s20 =	simm.s32 @!p1 $0x80  }
0x45: {  	[tilespmem:s16], [sflag:$0x1] =	stream.indirect.gather @!p1 [spmem:s2], $0x1, s10, s20, $0xb8;
	[tilespmem:$0x150F8] =	vst v63  }
0x46: {  	_ =	swait.ge [sflag:s0], $0x80  }
0x47: {  	s10 =	simm.s32 $0xC3;
	[sflag:s0] =	ssyncset.done $0x0  }
.LBB2_6:
0x48: {  	p1 =	sne.s32 s10, $0x1;
	s10 =	sadd.s32 $0xFFFFFFFF, s10;
	[sflag:s0] =	ssyncadd.s32 $0xFFFFFF80  }
.Ltmp2:
0x49: {  	(pc) =	sbr.rel @p1 .LBB2_6-.Ltmp2, $3  }
0x4a: {  	_ =	sdelay $0x1  }
0x4b: {  	_ =	swait.ge [sflag:s0], $0x80  }
0x4c: {  	[sflag:s0] =	ssyncset.done $0x0  }
0x4d: {  	[sflag:s0] =	ssyncadd.s32 $0xFFFFFF80;
	s10 =	sshrl.u32 @!p0 s1, $0x3;
	s15 =	simm.s32 @!p0 $0x1  }
0x4e: {  	s16 =	simm.s32 @!p0 $0x20;
	s17 =	simm.s32 @!p0 $0x10;
	s3 =	sadd.s32 $0x1, s3  }
0x4f: {  	s18 =	simm.s32 @!p0 $0x1C03;
	[bflag:$0x0] =	sbarrier.arrive $0xFFFF;
	p1 =	sne.s32 s3, s9  }
0x50: {  	[hbm:s8@s16], [sflag:s18] =	dma.strided @!p0 [spmem:s10@s17], $0x1880, s15, $0x10   }
.Ltmp3:
0x51: {  	_ = 	snop;
	(pc) =	sbr.rel @p1 .LBB2_1-.Ltmp3, $4  }
0x52: {  	s10 =	simm.s32 @!p0 $0x3  }
0x53: {  	_ =	swait.ge @!p0 [sflag:s10], $0x1880  }
0x54: {  	[sflag:s10] =	ssyncset.done @!p0 $0x0  }
0x55: {  	[sflag:s10] =	ssyncadd.s32 @!p0 $0xFFFFE780  }
0x56: {  	_ =	sfence.sel $0x180000  }
0x57: {  	[bflag:$0x0] =	sbarrier.arrive $0xFFFF  }
0x58: {  	_ =	strace $0x90000047  }
0x59: {  	[bflag:$0x2] =	sbarrier.arrive $0xFFFF  }
0x5a: {  	s0 =	rddreg [dreg:$0x3]  }
0x5b: {  	s0 =	sadd.s32 @!p0 $0x100000, s0  }
0x5c: {  	[sflag:s0] =	ssyncadd.tile.s32 @!p0 $0x1;
	_ =	shalt  }
.Lfunc_end2:
_tile_overlayer_lowered:
.L_overlay_start_2:
0x5d: {  	(tag) =	ssettag $0x2  }
0x5e: {  	s0 =	rddreg [dreg:$0x0];
	s2 =	stileid.u32  }
0x5f: {  	s1 =	rddreg [dreg:$0x1];
	p0 =	sne.s32 s2, $0x0  }
0x60: {  	s3 =	rddreg [dreg:$0x2];
	[bflag:$0x3] =	sbarrier.arrive $0xFFFF;
	s2 =	simm.s32 @!p0 $0x1C03  }
0x61: {  	[timem:s3], [sflag:s2] =	dma.local @!p0 [hbm:s0], s1  }
0x62: {  	s0 =	simm.s32 @!p0 $0x3  }
0x63: {  	_ =	swait.ge @!p0 [sflag:s0], s1  }
0x64: {  	s1 =	ssub.s32 @!p0 $0x0, s1;
	[sflag:s0] =	ssyncset.done @!p0 $0x0  }
0x65: {  	[sflag:s0] =	ssyncadd.s32 @!p0 s1  }
0x66: {  	[bflag:$0x3] =	sbarrier.arrive $0xFFFF  }
0x67: {  	_ =	shalt  }

</sc_bundles>
